<compile_context>
chip_gen: v7x
topology: tpu7x:2x2x1
jax: 0.10.2.dev20260603
libtpu: 0.0.44.dev20260713+nightly
codegen_flags: <defaults>
</compile_context>

<pallas_src>
import functools

import jax
import jax.numpy as jnp
from jax import lax
from jax.experimental import pallas as pl
from jax.experimental.pallas import tpu as pltpu
from jax.experimental.pallas import tpu_sc as plsc

_B = 4
_S = 2048
_D = 768
_EPS = 1e-12

_N_TOK = _B * _S
_NW = 32
_WSEG = _NW // _B
_TPW = _S // _WSEG
_K = 64
_NCH = _TPW // _K


def _gather_body(ids_hbm, wemb_hbm, out_hbm,
                 idx0, idx1, row0, row1, sg0, sg1, ss0, ss1):
    cid = lax.axis_index("c")
    sid = lax.axis_index("s")
    w = sid * 2 + cid
    seg = w // _WSEG
    off = (w % _WSEG) * _TPW
    obase = seg * _S + off
    idx = (idx0, idx1)
    row = (row0, row1)
    sg = (sg0, sg1)
    ss = (ss0, ss1)

    pltpu.sync_copy(ids_hbm.at[seg, pl.ds(off, _K)], idx0)
    pltpu.async_copy(wemb_hbm.at[idx0], row0, sg0)
    for c in range(_NCH):
        b = c & 1
        if c + 1 < _NCH:
            pltpu.sync_copy(ids_hbm.at[seg, pl.ds(off + (c + 1) * _K, _K)],
                            idx[1 - b])
            if c >= 1:
                pltpu.make_async_copy(
                    row[1 - b], out_hbm.at[pl.ds(obase + (c - 1) * _K, _K)],
                    ss[1 - b]).wait()
            pltpu.async_copy(wemb_hbm.at[idx[1 - b]], row[1 - b], sg[1 - b])
        pltpu.make_async_copy(wemb_hbm.at[idx[b]], row[b], sg[b]).wait()
        pltpu.async_copy(row[b], out_hbm.at[pl.ds(obase + c * _K, _K)], ss[b])
    for c in range(max(0, _NCH - 2), _NCH):
        b = c & 1
        pltpu.make_async_copy(
            row[b], out_hbm.at[pl.ds(obase + c * _K, _K)], ss[b]).wait()


def _sc_gather(ids, wemb):
    mesh = plsc.VectorSubcoreMesh(core_axis_name="c", subcore_axis_name="s")
    f = pl.kernel(
        _gather_body,
        mesh=mesh,
        compiler_params=pltpu.CompilerParams(needs_layout_passes=False),
        out_type=jax.ShapeDtypeStruct((_N_TOK, _D), jnp.float32),
        scratch_types=[
            pltpu.VMEM((_K,), jnp.int32),
            pltpu.VMEM((_K,), jnp.int32),
            pltpu.VMEM((_K, _D), jnp.float32),
            pltpu.VMEM((_K, _D), jnp.float32),
            pltpu.SemaphoreType.DMA,
            pltpu.SemaphoreType.DMA,
            pltpu.SemaphoreType.DMA,
            pltpu.SemaphoreType.DMA,
        ],
    )
    return f(ids, wemb)


def _ln_body(rows_ref, pos_ref, typ_ref, gam_ref, bet_ref, out_ref):
    x = rows_ref[...] + pos_ref[...] + typ_ref[...]
    mean = jnp.mean(x, axis=1, keepdims=True)
    xc = x - mean
    var = jnp.mean(xc * xc, axis=1, keepdims=True)
    y = xc * lax.rsqrt(var + _EPS)
    out_ref[...] = (y * gam_ref[...] + bet_ref[...]).astype(jnp.bfloat16)


@jax.jit
def _run(input_ids, wemb, pemb, temb, gam, bet):
    ids = input_ids.astype(jnp.int32)
    typ0 = temb[0:1]
    gam2 = gam.reshape(1, _D)
    bet2 = bet.reshape(1, _D)
    rows = _sc_gather(ids, wemb)
    out = pl.pallas_call(
        _ln_body,
        grid=(_B,),
        in_specs=[
            pl.BlockSpec((_S, _D), lambda b: (b, 0)),
            pl.BlockSpec((_S, _D), lambda b: (0, 0)),
            pl.BlockSpec((1, _D), lambda b: (0, 0)),
            pl.BlockSpec((1, _D), lambda b: (0, 0)),
            pl.BlockSpec((1, _D), lambda b: (0, 0)),
        ],
        out_specs=pl.BlockSpec((_S, _D), lambda b: (b, 0)),
        out_shape=jax.ShapeDtypeStruct((_N_TOK, _D), jnp.bfloat16),
    )(rows, pemb, typ0, gam2, bet2)
    return out.reshape(_B, _S, _D)


def kernel(input_ids, word_emb, pos_emb, type_emb, gamma, beta):
    return _run(input_ids, word_emb, pos_emb, type_emb, gamma, beta)

# --- scband reference (transcript-rebuilt; emitter-appended) ---
"""Pipeline reference for scband-tt-embeddings-80101140070853 (READ-ONLY COPY).

The authoritative reference and input builder live on the scoring server;
editing this copy changes nothing except your own understanding.
"""

import jax, jax.numpy as jnp
import numpy as np

VOCAB = 100000
HIDDEN = 768
MAXPOS = 2048
TYPES = 2
B = 4
S = 2048
EPS = 1e-12

def setup_inputs(seed: int = 0) -> dict:
    key = jax.random.key(seed)
    k1, k2, k3, k4 = jax.random.split(key, 4)
    input_ids = jax.random.randint(k1, (B, S), 0, VOCAB)
    word_emb = jax.random.normal(k2, (VOCAB, HIDDEN), dtype=jnp.float32) * 0.02
    pos_emb = jax.random.normal(k3, (MAXPOS, HIDDEN), dtype=jnp.float32) * 0.02
    type_emb = jax.random.normal(k4, (TYPES, HIDDEN), dtype=jnp.float32) * 0.02
    gamma = jnp.ones((HIDDEN,), dtype=jnp.float32)
    beta = jnp.zeros((HIDDEN,), dtype=jnp.float32)
    return {"input_ids": input_ids, "word_emb": word_emb, "pos_emb": pos_emb,
            "type_emb": type_emb, "gamma": gamma, "beta": beta}

def reference(input_ids, word_emb, pos_emb, type_emb, gamma, beta):
    b, s = input_ids.shape
    # word embedding lookup (padding_idx=0 only affects grads in torch, fwd identical)
    inputs_embeds = jnp.take(word_emb, input_ids, axis=0)
    # buffered token_type_ids are zeros -> expand to (b, s)
    token_type_ids = jnp.zeros((b, s), dtype=jnp.int32)
    token_type_embeddings = jnp.take(type_emb, token_type_ids, axis=0)
    embeddings = inputs_embeds + token_type_embeddings
    # absolute position embeddings: position_ids = arange(s)
    position_embeddings = pos_emb[:s][None, :, :]
    embeddings = embeddings + position_embeddings
    # PyTorch LayerNorm over last dim
    mean = jnp.mean(embeddings, axis=-1, keepdims=True)
    var = jnp.mean((embeddings - mean) ** 2, axis=-1, keepdims=True)
    normed = (embeddings - mean) / jnp.sqrt(var + EPS)
    out = normed * gamma + beta
    # module casts final result to bfloat16
    return out.astype(jnp.bfloat16)

if __name__ == "__main__":
    import jax
    _d = setup_inputs()
    print(jax.jit(kernel)(*tuple(_d.values())))

</pallas_src>

<mosaic_0001>
#map = affine_map<(d0, d1) -> (0, 0)>
module attributes {stable_mosaic.version = 14 : i64} {
  func.func @_gather_body(%arg0: i32, %arg1: i32, %arg2: memref<4x2048xi32, #tpu.memory_space<hbm>>, %arg3: memref<100000x768xf32, #tpu.memory_space<hbm>>, %arg4: memref<8192x768xf32, #tpu.memory_space<hbm>>, %arg5: memref<64xi32, #tpu.memory_space<vmem>>, %arg6: memref<64xi32, #tpu.memory_space<vmem>>, %arg7: memref<64x768xf32, #tpu.memory_space<vmem>>, %arg8: memref<64x768xf32, #tpu.memory_space<vmem>>, %arg9: memref<!tpu.dma_semaphore, #tpu.memory_space<semaphore_mem>>, %arg10: memref<!tpu.dma_semaphore, #tpu.memory_space<semaphore_mem>>, %arg11: memref<!tpu.dma_semaphore, #tpu.memory_space<semaphore_mem>>, %arg12: memref<!tpu.dma_semaphore, #tpu.memory_space<semaphore_mem>>) attributes {dimension_semantics = [#tpu.dimension_semantics<core_parallel>, #tpu.dimension_semantics<subcore_parallel>], iteration_bounds = array<i64: 2, 16>, scalar_prefetch = 0 : i64, scratch_operands = 8 : i64, tpu.core_type = #tpu.core_type<sc_vector_subcore>, window_params = [{transform_indices = #map}, {transform_indices = #map}, {transform_indices = #map}]} {
    %mul3A = arith.constant 2 : i32
    %mul3A_0 = arith.muli %arg1, %mul3A : i32
    %add3A = arith.addi %mul3A_0, %arg0 : i32
    %jit3A = arith.constant 8 : i32
    %div3A = arith.divsi %add3A, %jit3A : i32
    %sign3A = arith.constant 0 : i32
    %sign3A_1 = arith.cmpi sgt, %add3A, %sign3A : i32
    %sign3A_2 = arith.extui %sign3A_1 : i1 to i32
    %sign3A_3 = arith.constant 0 : i32
    %sign3A_4 = arith.cmpi slt, %add3A, %sign3A_3 : i32
    %sign3A_5 = arith.extui %sign3A_4 : i1 to i32
    %sign3A_6 = arith.subi %sign3A_2, %sign3A_5 : i32
    %sign3A_7 = arith.constant 0 : i32
    %sign3A_8 = arith.cmpi sgt, %jit3A, %sign3A_7 : i32
    %sign3A_9 = arith.extui %sign3A_8 : i1 to i32
    %sign3A_10 = arith.constant 0 : i32
    %sign3A_11 = arith.cmpi slt, %jit3A, %sign3A_10 : i32
    %sign3A_12 = arith.extui %sign3A_11 : i1 to i32
    %sign3A_13 = arith.subi %sign3A_9, %sign3A_12 : i32
    %ne3A = arith.cmpi ne, %sign3A_6, %sign3A_13 : i32
    %rem3A = arith.remsi %add3A, %jit3A : i32
    %ne3A_14 = arith.constant 0 : i32
    %ne3A_15 = arith.cmpi ne, %rem3A, %ne3A_14 : i32
    %and3A = arith.andi %ne3A, %ne3A_15 : i1
    %sub3A = arith.constant 1 : i32
    %sub3A_16 = arith.subi %div3A, %sub3A : i32
    %select_n3A = arith.select %and3A, %sub3A_16, %div3A : i32
    %jit3A_17 = arith.constant 8 : i32
    %eq3A = arith.constant 0 : i32
    %eq3A_18 = arith.cmpi eq, %jit3A_17, %eq3A : i32
    %jit3A_19 = arith.constant 1 : i32
    %select_n3A_20 = arith.select %eq3A_18, %jit3A_19, %jit3A_17 : i32
    %rem3A_21 = arith.remsi %add3A, %select_n3A_20 : i32
    %ne3A_22 = arith.constant 0 : i32
    %ne3A_23 = arith.cmpi ne, %rem3A_21, %ne3A_22 : i32
    %lt3A = arith.constant 0 : i32
    %lt3A_24 = arith.cmpi slt, %rem3A_21, %lt3A : i32
    %lt3A_25 = arith.constant 0 : i32
    %lt3A_26 = arith.cmpi slt, %select_n3A_20, %lt3A_25 : i32
    %ne3A_27 = arith.xori %lt3A_24, %lt3A_26 : i1
    %and3A_28 = arith.andi %ne3A_27, %ne3A_23 : i1
    %add3A_29 = arith.addi %rem3A_21, %select_n3A_20 : i32
    %select_n3A_30 = arith.select %and3A_28, %add3A_29, %rem3A_21 : i32
    %mul3A_31 = arith.constant 256 : i32
    %mul3A_32 = arith.muli %select_n3A_30, %mul3A_31 : i32
    %mul3A_33 = arith.constant 2048 : i32
    %mul3A_34 = arith.muli %select_n3A, %mul3A_33 : i32
    %add3A_35 = arith.addi %mul3A_34, %mul3A_32 : i32
    "tpu.region"() ({
      %run_scoped3A = tpu.sem_alloc : memref<!tpu.dma_semaphore, #tpu.memory_space<semaphore_mem>>
      %dma_start3A_112 = tpu.memref_slice %arg2[%select_n3A, %mul3A_32] : memref<4x2048xi32, #tpu.memory_space<hbm>> -> memref<1x64xi32, #tpu.memory_space<hbm>>
      %dma_start3A_113 = tpu.memref_squeeze %dma_start3A_112 : memref<1x64xi32, #tpu.memory_space<hbm>> -> memref<64xi32, #tpu.memory_space<hbm>>
      %dma_start3A_114 = tpu.memref_slice %arg2[%select_n3A, %mul3A_32] : memref<4x2048xi32, #tpu.memory_space<hbm>> -> memref<1x64xi32, #tpu.memory_space<hbm>>
      %dma_start3A_115 = tpu.memref_squeeze %dma_start3A_114 : memref<1x64xi32, #tpu.memory_space<hbm>> -> memref<64xi32, #tpu.memory_space<hbm>>
      tpu.enqueue_dma source(%dma_start3A_115 : memref<64xi32, #tpu.memory_space<hbm>>) target(%arg5 : memref<64xi32, #tpu.memory_space<vmem>>) target_semaphore(%run_scoped3A : memref<!tpu.dma_semaphore, #tpu.memory_space<semaphore_mem>>)
      %dma_wait3A_116 = tpu.memref_slice %arg2[%select_n3A, %mul3A_32] : memref<4x2048xi32, #tpu.memory_space<hbm>> -> memref<1x64xi32, #tpu.memory_space<hbm>>
      %dma_wait3A_117 = tpu.memref_squeeze %dma_wait3A_116 : memref<1x64xi32, #tpu.memory_space<hbm>> -> memref<64xi32, #tpu.memory_space<hbm>>
      %dma_wait3A_118 = tpu.memref_slice %arg2[%select_n3A, %mul3A_32] : memref<4x2048xi32, #tpu.memory_space<hbm>> -> memref<1x64xi32, #tpu.memory_space<hbm>>
      %dma_wait3A_119 = tpu.memref_squeeze %dma_wait3A_118 : memref<1x64xi32, #tpu.memory_space<hbm>> -> memref<64xi32, #tpu.memory_space<hbm>>
      tpu.wait_dma2 semaphore(%run_scoped3A : memref<!tpu.dma_semaphore, #tpu.memory_space<semaphore_mem>>) src(%dma_wait3A_119 : memref<64xi32, #tpu.memory_space<hbm>>) dst(%arg5 : memref<64xi32, #tpu.memory_space<vmem>>)
      tpu.yield
    }) : () -> ()
    %dma_start3A = arith.constant 0 : i32
    %dma_start3A_36 = arith.constant 0 : i32
    %dma_start3A_37 = tpu.memref_slice %arg3[%dma_start3A, %dma_start3A_36] : memref<100000x768xf32, #tpu.memory_space<hbm>> -> memref<100000x768xf32, #tpu.memory_space<hbm>>
    tpu.enqueue_indirect_dma source(%dma_start3A_37 : memref<100000x768xf32, #tpu.memory_space<hbm>>) target(%arg7 : memref<64x768xf32, #tpu.memory_space<vmem>>) offsets(%arg5 : memref<64xi32, #tpu.memory_space<vmem>>) semaphore(%arg9 : memref<!tpu.dma_semaphore, #tpu.memory_space<semaphore_mem>>)
    %add3A_38 = arith.constant 64 : i32
    %add3A_39 = arith.addi %mul3A_32, %add3A_38 : i32
    "tpu.region"() ({
      %run_scoped3A = tpu.sem_alloc : memref<!tpu.dma_semaphore, #tpu.memory_space<semaphore_mem>>
      %dma_start3A_112 = tpu.memref_slice %arg2[%select_n3A, %add3A_39] : memref<4x2048xi32, #tpu.memory_space<hbm>> -> memref<1x64xi32, #tpu.memory_space<hbm>>
      %dma_start3A_113 = tpu.memref_squeeze %dma_start3A_112 : memref<1x64xi32, #tpu.memory_space<hbm>> -> memref<64xi32, #tpu.memory_space<hbm>>
      %dma_start3A_114 = tpu.memref_slice %arg2[%select_n3A, %add3A_39] : memref<4x2048xi32, #tpu.memory_space<hbm>> -> memref<1x64xi32, #tpu.memory_space<hbm>>
      %dma_start3A_115 = tpu.memref_squeeze %dma_start3A_114 : memref<1x64xi32, #tpu.memory_space<hbm>> -> memref<64xi32, #tpu.memory_space<hbm>>
      tpu.enqueue_dma source(%dma_start3A_115 : memref<64xi32, #tpu.memory_space<hbm>>) target(%arg6 : memref<64xi32, #tpu.memory_space<vmem>>) target_semaphore(%run_scoped3A : memref<!tpu.dma_semaphore, #tpu.memory_space<semaphore_mem>>)
      %dma_wait3A_116 = tpu.memref_slice %arg2[%select_n3A, %add3A_39] : memref<4x2048xi32, #tpu.memory_space<hbm>> -> memref<1x64xi32, #tpu.memory_space<hbm>>
      %dma_wait3A_117 = tpu.memref_squeeze %dma_wait3A_116 : memref<1x64xi32, #tpu.memory_space<hbm>> -> memref<64xi32, #tpu.memory_space<hbm>>
      %dma_wait3A_118 = tpu.memref_slice %arg2[%select_n3A, %add3A_39] : memref<4x2048xi32, #tpu.memory_space<hbm>> -> memref<1x64xi32, #tpu.memory_space<hbm>>
      %dma_wait3A_119 = tpu.memref_squeeze %dma_wait3A_118 : memref<1x64xi32, #tpu.memory_space<hbm>> -> memref<64xi32, #tpu.memory_space<hbm>>
      tpu.wait_dma2 semaphore(%run_scoped3A : memref<!tpu.dma_semaphore, #tpu.memory_space<semaphore_mem>>) src(%dma_wait3A_119 : memref<64xi32, #tpu.memory_space<hbm>>) dst(%arg6 : memref<64xi32, #tpu.memory_space<vmem>>)
      tpu.yield
    }) : () -> ()
    %dma_start3A_40 = arith.constant 0 : i32
    %dma_start3A_41 = arith.constant 0 : i32
    %dma_start3A_42 = tpu.memref_slice %arg3[%dma_start3A_40, %dma_start3A_41] : memref<100000x768xf32, #tpu.memory_space<hbm>> -> memref<100000x768xf32, #tpu.memory_space<hbm>>
    tpu.enqueue_indirect_dma source(%dma_start3A_42 : memref<100000x768xf32, #tpu.memory_space<hbm>>) target(%arg8 : memref<64x768xf32, #tpu.memory_space<vmem>>) offsets(%arg6 : memref<64xi32, #tpu.memory_space<vmem>>) semaphore(%arg10 : memref<!tpu.dma_semaphore, #tpu.memory_space<semaphore_mem>>)
    %dma_wait3A = arith.constant 0 : i32
    %dma_wait3A_43 = arith.constant 0 : i32
    %dma_wait3A_44 = tpu.memref_slice %arg3[%dma_wait3A, %dma_wait3A_43] : memref<100000x768xf32, #tpu.memory_space<hbm>> -> memref<100000x768xf32, #tpu.memory_space<hbm>>
    tpu.wait_indirect_dma semaphore(%arg9 : memref<!tpu.dma_semaphore, #tpu.memory_space<semaphore_mem>>) src(%dma_wait3A_44 : memref<100000x768xf32, #tpu.memory_space<hbm>>) dst(%arg7 : memref<64x768xf32, #tpu.memory_space<vmem>>)
    %add3A_45 = arith.constant 0 : i32
    %add3A_46 = arith.addi %add3A_35, %add3A_45 : i32
    %dma_start3A_47 = arith.constant 0 : i32
    %dma_start3A_48 = tpu.memref_slice %arg4[%add3A_46, %dma_start3A_47] : memref<8192x768xf32, #tpu.memory_space<hbm>> -> memref<64x768xf32, #tpu.memory_space<hbm>>
    %dma_start3A_49 = arith.constant 0 : i32
    %dma_start3A_50 = tpu.memref_slice %arg4[%add3A_46, %dma_start3A_49] : memref<8192x768xf32, #tpu.memory_space<hbm>> -> memref<64x768xf32, #tpu.memory_space<hbm>>
    tpu.enqueue_dma source(%arg7 : memref<64x768xf32, #tpu.memory_space<vmem>>) target(%dma_start3A_50 : memref<64x768xf32, #tpu.memory_space<hbm>>) target_semaphore(%arg11 : memref<!tpu.dma_semaphore, #tpu.memory_space<semaphore_mem>>)
    %add3A_51 = arith.constant 128 : i32
    %add3A_52 = arith.addi %mul3A_32, %add3A_51 : i32
    "tpu.region"() ({
      %run_scoped3A = tpu.sem_alloc : memref<!tpu.dma_semaphore, #tpu.memory_space<semaphore_mem>>
      %dma_start3A_112 = tpu.memref_slice %arg2[%select_n3A, %add3A_52] : memref<4x2048xi32, #tpu.memory_space<hbm>> -> memref<1x64xi32, #tpu.memory_space<hbm>>
      %dma_start3A_113 = tpu.memref_squeeze %dma_start3A_112 : memref<1x64xi32, #tpu.memory_space<hbm>> -> memref<64xi32, #tpu.memory_space<hbm>>
      %dma_start3A_114 = tpu.memref_slice %arg2[%select_n3A, %add3A_52] : memref<4x2048xi32, #tpu.memory_space<hbm>> -> memref<1x64xi32, #tpu.memory_space<hbm>>
      %dma_start3A_115 = tpu.memref_squeeze %dma_start3A_114 : memref<1x64xi32, #tpu.memory_space<hbm>> -> memref<64xi32, #tpu.memory_space<hbm>>
      tpu.enqueue_dma source(%dma_start3A_115 : memref<64xi32, #tpu.memory_space<hbm>>) target(%arg5 : memref<64xi32, #tpu.memory_space<vmem>>) target_semaphore(%run_scoped3A : memref<!tpu.dma_semaphore, #tpu.memory_space<semaphore_mem>>)
      %dma_wait3A_116 = tpu.memref_slice %arg2[%select_n3A, %add3A_52] : memref<4x2048xi32, #tpu.memory_space<hbm>> -> memref<1x64xi32, #tpu.memory_space<hbm>>
      %dma_wait3A_117 = tpu.memref_squeeze %dma_wait3A_116 : memref<1x64xi32, #tpu.memory_space<hbm>> -> memref<64xi32, #tpu.memory_space<hbm>>
      %dma_wait3A_118 = tpu.memref_slice %arg2[%select_n3A, %add3A_52] : memref<4x2048xi32, #tpu.memory_space<hbm>> -> memref<1x64xi32, #tpu.memory_space<hbm>>
      %dma_wait3A_119 = tpu.memref_squeeze %dma_wait3A_118 : memref<1x64xi32, #tpu.memory_space<hbm>> -> memref<64xi32, #tpu.memory_space<hbm>>
      tpu.wait_dma2 semaphore(%run_scoped3A : memref<!tpu.dma_semaphore, #tpu.memory_space<semaphore_mem>>) src(%dma_wait3A_119 : memref<64xi32, #tpu.memory_space<hbm>>) dst(%arg5 : memref<64xi32, #tpu.memory_space<vmem>>)
      tpu.yield
    }) : () -> ()
    %add3A_53 = arith.constant 0 : i32
    %add3A_54 = arith.addi %add3A_35, %add3A_53 : i32
    %dma_wait3A_55 = arith.constant 0 : i32
    %dma_wait3A_56 = tpu.memref_slice %arg4[%add3A_54, %dma_wait3A_55] : memref<8192x768xf32, #tpu.memory_space<hbm>> -> memref<64x768xf32, #tpu.memory_space<hbm>>
    %dma_wait3A_57 = arith.constant 0 : i32
    %dma_wait3A_58 = tpu.memref_slice %arg4[%add3A_54, %dma_wait3A_57] : memref<8192x768xf32, #tpu.memory_space<hbm>> -> memref<64x768xf32, #tpu.memory_space<hbm>>
    tpu.wait_dma2 semaphore(%arg11 : memref<!tpu.dma_semaphore, #tpu.memory_space<semaphore_mem>>) src(%arg7 : memref<64x768xf32, #tpu.memory_space<vmem>>) dst(%dma_wait3A_58 : memref<64x768xf32, #tpu.memory_space<hbm>>)
    %dma_start3A_59 = arith.constant 0 : i32
    %dma_start3A_60 = arith.constant 0 : i32
    %dma_start3A_61 = tpu.memref_slice %arg3[%dma_start3A_59, %dma_start3A_60] : memref<100000x768xf32, #tpu.memory_space<hbm>> -> memref<100000x768xf32, #tpu.memory_space<hbm>>
    tpu.enqueue_indirect_dma source(%dma_start3A_61 : memref<100000x768xf32, #tpu.memory_space<hbm>>) target(%arg7 : memref<64x768xf32, #tpu.memory_space<vmem>>) offsets(%arg5 : memref<64xi32, #tpu.memory_space<vmem>>) semaphore(%arg9 : memref<!tpu.dma_semaphore, #tpu.memory_space<semaphore_mem>>)
    %dma_wait3A_62 = arith.constant 0 : i32
    %dma_wait3A_63 = arith.constant 0 : i32
    %dma_wait3A_64 = tpu.memref_slice %arg3[%dma_wait3A_62, %dma_wait3A_63] : memref<100000x768xf32, #tpu.memory_space<hbm>> -> memref<100000x768xf32, #tpu.memory_space<hbm>>
    tpu.wait_indirect_dma semaphore(%arg10 : memref<!tpu.dma_semaphore, #tpu.memory_space<semaphore_mem>>) src(%dma_wait3A_64 : memref<100000x768xf32, #tpu.memory_space<hbm>>) dst(%arg8 : memref<64x768xf32, #tpu.memory_space<vmem>>)
    %add3A_65 = arith.constant 64 : i32
    %add3A_66 = arith.addi %add3A_35, %add3A_65 : i32
    %dma_start3A_67 = arith.constant 0 : i32
    %dma_start3A_68 = tpu.memref_slice %arg4[%add3A_66, %dma_start3A_67] : memref<8192x768xf32, #tpu.memory_space<hbm>> -> memref<64x768xf32, #tpu.memory_space<hbm>>
    %dma_start3A_69 = arith.constant 0 : i32
    %dma_start3A_70 = tpu.memref_slice %arg4[%add3A_66, %dma_start3A_69] : memref<8192x768xf32, #tpu.memory_space<hbm>> -> memref<64x768xf32, #tpu.memory_space<hbm>>
    tpu.enqueue_dma source(%arg8 : memref<64x768xf32, #tpu.memory_space<vmem>>) target(%dma_start3A_70 : memref<64x768xf32, #tpu.memory_space<hbm>>) target_semaphore(%arg12 : memref<!tpu.dma_semaphore, #tpu.memory_space<semaphore_mem>>)
    %add3A_71 = arith.constant 192 : i32
    %add3A_72 = arith.addi %mul3A_32, %add3A_71 : i32
    "tpu.region"() ({
      %run_scoped3A = tpu.sem_alloc : memref<!tpu.dma_semaphore, #tpu.memory_space<semaphore_mem>>
      %dma_start3A_112 = tpu.memref_slice %arg2[%select_n3A, %add3A_72] : memref<4x2048xi32, #tpu.memory_space<hbm>> -> memref<1x64xi32, #tpu.memory_space<hbm>>
      %dma_start3A_113 = tpu.memref_squeeze %dma_start3A_112 : memref<1x64xi32, #tpu.memory_space<hbm>> -> memref<64xi32, #tpu.memory_space<hbm>>
      %dma_start3A_114 = tpu.memref_slice %arg2[%select_n3A, %add3A_72] : memref<4x2048xi32, #tpu.memory_space<hbm>> -> memref<1x64xi32, #tpu.memory_space<hbm>>
      %dma_start3A_115 = tpu.memref_squeeze %dma_start3A_114 : memref<1x64xi32, #tpu.memory_space<hbm>> -> memref<64xi32, #tpu.memory_space<hbm>>
      tpu.enqueue_dma source(%dma_start3A_115 : memref<64xi32, #tpu.memory_space<hbm>>) target(%arg6 : memref<64xi32, #tpu.memory_space<vmem>>) target_semaphore(%run_scoped3A : memref<!tpu.dma_semaphore, #tpu.memory_space<semaphore_mem>>)
      %dma_wait3A_116 = tpu.memref_slice %arg2[%select_n3A, %add3A_72] : memref<4x2048xi32, #tpu.memory_space<hbm>> -> memref<1x64xi32, #tpu.memory_space<hbm>>
      %dma_wait3A_117 = tpu.memref_squeeze %dma_wait3A_116 : memref<1x64xi32, #tpu.memory_space<hbm>> -> memref<64xi32, #tpu.memory_space<hbm>>
      %dma_wait3A_118 = tpu.memref_slice %arg2[%select_n3A, %add3A_72] : memref<4x2048xi32, #tpu.memory_space<hbm>> -> memref<1x64xi32, #tpu.memory_space<hbm>>
      %dma_wait3A_119 = tpu.memref_squeeze %dma_wait3A_118 : memref<1x64xi32, #tpu.memory_space<hbm>> -> memref<64xi32, #tpu.memory_space<hbm>>
      tpu.wait_dma2 semaphore(%run_scoped3A : memref<!tpu.dma_semaphore, #tpu.memory_space<semaphore_mem>>) src(%dma_wait3A_119 : memref<64xi32, #tpu.memory_space<hbm>>) dst(%arg6 : memref<64xi32, #tpu.memory_space<vmem>>)
      tpu.yield
    }) : () -> ()
    %add3A_73 = arith.constant 64 : i32
    %add3A_74 = arith.addi %add3A_35, %add3A_73 : i32
    %dma_wait3A_75 = arith.constant 0 : i32
    %dma_wait3A_76 = tpu.memref_slice %arg4[%add3A_74, %dma_wait3A_75] : memref<8192x768xf32, #tpu.memory_space<hbm>> -> memref<64x768xf32, #tpu.memory_space<hbm>>
    %dma_wait3A_77 = arith.constant 0 : i32
    %dma_wait3A_78 = tpu.memref_slice %arg4[%add3A_74, %dma_wait3A_77] : memref<8192x768xf32, #tpu.memory_space<hbm>> -> memref<64x768xf32, #tpu.memory_space<hbm>>
    tpu.wait_dma2 semaphore(%arg12 : memref<!tpu.dma_semaphore, #tpu.memory_space<semaphore_mem>>) src(%arg8 : memref<64x768xf32, #tpu.memory_space<vmem>>) dst(%dma_wait3A_78 : memref<64x768xf32, #tpu.memory_space<hbm>>)
    %dma_start3A_79 = arith.constant 0 : i32
    %dma_start3A_80 = arith.constant 0 : i32
    %dma_start3A_81 = tpu.memref_slice %arg3[%dma_start3A_79, %dma_start3A_80] : memref<100000x768xf32, #tpu.memory_space<hbm>> -> memref<100000x768xf32, #tpu.memory_space<hbm>>
    tpu.enqueue_indirect_dma source(%dma_start3A_81 : memref<100000x768xf32, #tpu.memory_space<hbm>>) target(%arg8 : memref<64x768xf32, #tpu.memory_space<vmem>>) offsets(%arg6 : memref<64xi32, #tpu.memory_space<vmem>>) semaphore(%arg10 : memref<!tpu.dma_semaphore, #tpu.memory_space<semaphore_mem>>)
    %dma_wait3A_82 = arith.constant 0 : i32
    %dma_wait3A_83 = arith.constant 0 : i32
    %dma_wait3A_84 = tpu.memref_slice %arg3[%dma_wait3A_82, %dma_wait3A_83] : memref<100000x768xf32, #tpu.memory_space<hbm>> -> memref<100000x768xf32, #tpu.memory_space<hbm>>
    tpu.wait_indirect_dma semaphore(%arg9 : memref<!tpu.dma_semaphore, #tpu.memory_space<semaphore_mem>>) src(%dma_wait3A_84 : memref<100000x768xf32, #tpu.memory_space<hbm>>) dst(%arg7 : memref<64x768xf32, #tpu.memory_space<vmem>>)
    %add3A_85 = arith.constant 128 : i32
    %add3A_86 = arith.addi %add3A_35, %add3A_85 : i32
    %dma_start3A_87 = arith.constant 0 : i32
    %dma_start3A_88 = tpu.memref_slice %arg4[%add3A_86, %dma_start3A_87] : memref<8192x768xf32, #tpu.memory_space<hbm>> -> memref<64x768xf32, #tpu.memory_space<hbm>>
    %dma_start3A_89 = arith.constant 0 : i32
    %dma_start3A_90 = tpu.memref_slice %arg4[%add3A_86, %dma_start3A_89] : memref<8192x768xf32, #tpu.memory_space<hbm>> -> memref<64x768xf32, #tpu.memory_space<hbm>>
    tpu.enqueue_dma source(%arg7 : memref<64x768xf32, #tpu.memory_space<vmem>>) target(%dma_start3A_90 : memref<64x768xf32, #tpu.memory_space<hbm>>) target_semaphore(%arg11 : memref<!tpu.dma_semaphore, #tpu.memory_space<semaphore_mem>>)
    %dma_wait3A_91 = arith.constant 0 : i32
    %dma_wait3A_92 = arith.constant 0 : i32
    %dma_wait3A_93 = tpu.memref_slice %arg3[%dma_wait3A_91, %dma_wait3A_92] : memref<100000x768xf32, #tpu.memory_space<hbm>> -> memref<100000x768xf32, #tpu.memory_space<hbm>>
    tpu.wait_indirect_dma semaphore(%arg10 : memref<!tpu.dma_semaphore, #tpu.memory_space<semaphore_mem>>) src(%dma_wait3A_93 : memref<100000x768xf32, #tpu.memory_space<hbm>>) dst(%arg8 : memref<64x768xf32, #tpu.memory_space<vmem>>)
    %add3A_94 = arith.constant 192 : i32
    %add3A_95 = arith.addi %add3A_35, %add3A_94 : i32
    %dma_start3A_96 = arith.constant 0 : i32
    %dma_start3A_97 = tpu.memref_slice %arg4[%add3A_95, %dma_start3A_96] : memref<8192x768xf32, #tpu.memory_space<hbm>> -> memref<64x768xf32, #tpu.memory_space<hbm>>
    %dma_start3A_98 = arith.constant 0 : i32
    %dma_start3A_99 = tpu.memref_slice %arg4[%add3A_95, %dma_start3A_98] : memref<8192x768xf32, #tpu.memory_space<hbm>> -> memref<64x768xf32, #tpu.memory_space<hbm>>
    tpu.enqueue_dma source(%arg8 : memref<64x768xf32, #tpu.memory_space<vmem>>) target(%dma_start3A_99 : memref<64x768xf32, #tpu.memory_space<hbm>>) target_semaphore(%arg12 : memref<!tpu.dma_semaphore, #tpu.memory_space<semaphore_mem>>)
    %add3A_100 = arith.constant 128 : i32
    %add3A_101 = arith.addi %add3A_35, %add3A_100 : i32
    %dma_wait3A_102 = arith.constant 0 : i32
    %dma_wait3A_103 = tpu.memref_slice %arg4[%add3A_101, %dma_wait3A_102] : memref<8192x768xf32, #tpu.memory_space<hbm>> -> memref<64x768xf32, #tpu.memory_space<hbm>>
    %dma_wait3A_104 = arith.constant 0 : i32
    %dma_wait3A_105 = tpu.memref_slice %arg4[%add3A_101, %dma_wait3A_104] : memref<8192x768xf32, #tpu.memory_space<hbm>> -> memref<64x768xf32, #tpu.memory_space<hbm>>
    tpu.wait_dma2 semaphore(%arg11 : memref<!tpu.dma_semaphore, #tpu.memory_space<semaphore_mem>>) src(%arg7 : memref<64x768xf32, #tpu.memory_space<vmem>>) dst(%dma_wait3A_105 : memref<64x768xf32, #tpu.memory_space<hbm>>)
    %add3A_106 = arith.constant 192 : i32
    %add3A_107 = arith.addi %add3A_35, %add3A_106 : i32
    %dma_wait3A_108 = arith.constant 0 : i32
    %dma_wait3A_109 = tpu.memref_slice %arg4[%add3A_107, %dma_wait3A_108] : memref<8192x768xf32, #tpu.memory_space<hbm>> -> memref<64x768xf32, #tpu.memory_space<hbm>>
    %dma_wait3A_110 = arith.constant 0 : i32
    %dma_wait3A_111 = tpu.memref_slice %arg4[%add3A_107, %dma_wait3A_110] : memref<8192x768xf32, #tpu.memory_space<hbm>> -> memref<64x768xf32, #tpu.memory_space<hbm>>
    tpu.wait_dma2 semaphore(%arg12 : memref<!tpu.dma_semaphore, #tpu.memory_space<semaphore_mem>>) src(%arg8 : memref<64x768xf32, #tpu.memory_space<vmem>>) dst(%dma_wait3A_111 : memref<64x768xf32, #tpu.memory_space<hbm>>)
    return
  }
}

module attributes {stable_mosaic.version = 14 : i64} {
  func.func @_ln_body(%arg0: i32, %arg1: memref<2048x768xf32, #tpu.memory_space<vmem>>, %arg2: memref<2048x768xf32, #tpu.memory_space<vmem>>, %arg3: memref<1x768xf32, #tpu.memory_space<vmem>>, %arg4: memref<1x768xf32, #tpu.memory_space<vmem>>, %arg5: memref<1x768xf32, #tpu.memory_space<vmem>>, %arg6: memref<2048x768xbf16, #tpu.memory_space<vmem>>) attributes {dimension_semantics = [#tpu.dimension_semantics<arbitrary>], iteration_bounds = array<i64: 4>, scalar_prefetch = 0 : i64, scratch_operands = 0 : i64, tpu.core_type = #tpu.core_type<tc>, window_params = [{transform_indices = @transform_0, window_bounds = array<i64: 2048, 768>}, {pipeline_mode = #tpu.pipeline_mode<synchronous>, transform_indices = @transform_1, window_bounds = array<i64: 2048, 768>}, {pipeline_mode = #tpu.pipeline_mode<synchronous>, transform_indices = @transform_2, window_bounds = array<i64: 1, 768>}, {pipeline_mode = #tpu.pipeline_mode<synchronous>, transform_indices = @transform_3, window_bounds = array<i64: 1, 768>}, {pipeline_mode = #tpu.pipeline_mode<synchronous>, transform_indices = @transform_4, window_bounds = array<i64: 1, 768>}, {transform_indices = @transform_5, window_bounds = array<i64: 2048, 768>}]} {
    %get3A = arith.constant 0 : index
    %get3A_0 = arith.constant 0 : index
    %get3A_1 = vector.load %arg1[%get3A, %get3A_0] : memref<2048x768xf32, #tpu.memory_space<vmem>>, vector<2048x768xf32>
    %get3A_2 = arith.constant 0 : index
    %get3A_3 = arith.constant 0 : index
    %get3A_4 = vector.load %arg2[%get3A_2, %get3A_3] : memref<2048x768xf32, #tpu.memory_space<vmem>>, vector<2048x768xf32>
    %add3A = arith.addf %get3A_1, %get3A_4 : vector<2048x768xf32>
    %get3A_5 = arith.constant 0 : index
    %get3A_6 = arith.constant 0 : index
    %get3A_7 = vector.load %arg3[%get3A_5, %get3A_6] : memref<1x768xf32, #tpu.memory_space<vmem>>, vector<1x768xf32>
    %add3A_8 = vector.broadcast %get3A_7 : vector<1x768xf32> to vector<2048x768xf32>
    %add3A_9 = arith.addf %add3A, %add3A_8 : vector<2048x768xf32>
    %reduce_sum3A = arith.constant dense<0.000000e+00> : vector<2048xf32>
    %reduce_sum3A_10 = vector.multi_reduction <add>, %add3A_9, %reduce_sum3A [1] : vector<2048x768xf32> to vector<2048xf32>
    %broadcast_in_dim3A = vector.shape_cast %reduce_sum3A_10 : vector<2048xf32> to vector<2048x1xf32>
    %div3A = arith.constant 7.680000e+02 : f32
    %div3A_11 = vector.broadcast %div3A : f32 to vector<2048x1xf32>
    %div3A_12 = arith.divf %broadcast_in_dim3A, %div3A_11 : vector<2048x1xf32>
    %sub3A = vector.broadcast %div3A_12 : vector<2048x1xf32> to vector<2048x768xf32>
    %sub3A_13 = arith.subf %add3A_9, %sub3A : vector<2048x768xf32>
    %mul3A = arith.mulf %sub3A_13, %sub3A_13 : vector<2048x768xf32>
    %reduce_sum3A_14 = arith.constant dense<0.000000e+00> : vector<2048xf32>
    %reduce_sum3A_15 = vector.multi_reduction <add>, %mul3A, %reduce_sum3A_14 [1] : vector<2048x768xf32> to vector<2048xf32>
    %broadcast_in_dim3A_16 = vector.shape_cast %reduce_sum3A_15 : vector<2048xf32> to vector<2048x1xf32>
    %div3A_17 = arith.constant 7.680000e+02 : f32
    %div3A_18 = vector.broadcast %div3A_17 : f32 to vector<2048x1xf32>
    %div3A_19 = arith.divf %broadcast_in_dim3A_16, %div3A_18 : vector<2048x1xf32>
    %add3A_20 = arith.constant 9.99999996E-13 : f32
    %add3A_21 = vector.broadcast %add3A_20 : f32 to vector<2048x1xf32>
    %add3A_22 = arith.addf %div3A_19, %add3A_21 : vector<2048x1xf32>
    %rsqrt3A = math.rsqrt %add3A_22 : vector<2048x1xf32>
    %mul3A_23 = vector.broadcast %rsqrt3A : vector<2048x1xf32> to vector<2048x768xf32>
    %mul3A_24 = arith.mulf %sub3A_13, %mul3A_23 : vector<2048x768xf32>
    %get3A_25 = arith.constant 0 : index
    %get3A_26 = arith.constant 0 : index
    %get3A_27 = vector.load %arg4[%get3A_25, %get3A_26] : memref<1x768xf32, #tpu.memory_space<vmem>>, vector<1x768xf32>
    %mul3A_28 = vector.broadcast %get3A_27 : vector<1x768xf32> to vector<2048x768xf32>
    %mul3A_29 = arith.mulf %mul3A_24, %mul3A_28 : vector<2048x768xf32>
    %get3A_30 = arith.constant 0 : index
    %get3A_31 = arith.constant 0 : index
    %get3A_32 = vector.load %arg5[%get3A_30, %get3A_31] : memref<1x768xf32, #tpu.memory_space<vmem>>, vector<1x768xf32>
    %add3A_33 = vector.broadcast %get3A_32 : vector<1x768xf32> to vector<2048x768xf32>
    %add3A_34 = arith.addf %mul3A_29, %add3A_33 : vector<2048x768xf32>
    %convert_element_type3A = arith.truncf %add3A_34 : vector<2048x768xf32> to vector<2048x768xbf16>
    %swap3A = arith.constant 0 : index
    %swap3A_35 = arith.constant 0 : index
    %swap3A_36 = vector.load %arg6[%swap3A, %swap3A_35] : memref<2048x768xbf16, #tpu.memory_space<vmem>>, vector<2048x768xbf16>
    tpu.vector_store %arg6[%swap3A, %swap3A_35], %convert_element_type3A {strides = array<i32>} : memref<2048x768xbf16, #tpu.memory_space<vmem>>, vector<2048x768xbf16>,
    return
  }
  func.func @transform_0(%arg0: i32) -> (i32, i32) {
    %c0_i32 = arith.constant 0 : i32
    %c0_i32_0 = arith.constant 0 : i32
    return %arg0, %c0_i32 : i32, i32
  }
  func.func @transform_1(%arg0: i32) -> (i32, i32) {
    %c0_i32 = arith.constant 0 : i32
    %c0_i32_0 = arith.constant 0 : i32
    %c0_i32_1 = arith.constant 0 : i32
    return %c0_i32, %c0_i32_0 : i32, i32
  }
  func.func @transform_2(%arg0: i32) -> (i32, i32) {
    %c0_i32 = arith.constant 0 : i32
    %c0_i32_0 = arith.constant 0 : i32
    %c0_i32_1 = arith.constant 0 : i32
    return %c0_i32, %c0_i32_0 : i32, i32
  }
  func.func @transform_3(%arg0: i32) -> (i32, i32) {
    %c0_i32 = arith.constant 0 : i32
    %c0_i32_0 = arith.constant 0 : i32
    %c0_i32_1 = arith.constant 0 : i32
    return %c0_i32, %c0_i32_0 : i32, i32
  }
  func.func @transform_4(%arg0: i32) -> (i32, i32) {
    %c0_i32 = arith.constant 0 : i32
    %c0_i32_0 = arith.constant 0 : i32
    %c0_i32_1 = arith.constant 0 : i32
    return %c0_i32, %c0_i32_0 : i32, i32
  }
  func.func @transform_5(%arg0: i32) -> (i32, i32) {
    %c0_i32 = arith.constant 0 : i32
    %c0_i32_0 = arith.constant 0 : i32
    return %arg0, %c0_i32 : i32, i32
  }
}

</mosaic_0001>

<sc_bundles>
// kernel: _run.4.cloned.1.call-start
scs
__scs_entry_jumppad:
0x0: {  	(pc) =	sbr.rel $0x88, $3  }
0x1: {  	(tag) =	ssettag $0x0;
	lr =	simm.s32 $0x1  }
0x2: {  	[smem:$0x3F9B] =	sst lr;
	_ =	strace $0xD0000000  }
0x3: {  	_ = 	snop  }
0x4: {  	_ = 	snop  }
0x5: {  	_ = 	snop  }
0x6: {  	_ = 	snop  }
0x7: {  	_ = 	snop  }
__scs_overlays_trampoline_lowered:
0x8: {  	[smem:$0x3FAA] =	sst s0  }
0x9: {  	[smem:$0x3FAB] =	sst s1  }
0xa: {  	[smem:$0x3FAC] =	sst s2  }
0xb: {  	[smem:$0x3FAD] =	sst s3  }
0xc: {  	[smem:$0x3FAE] =	sst s4  }
0xd: {  	[smem:$0x3FAF] =	sst s5  }
0xe: {  	[smem:$0x3FB0] =	sst s6  }
0xf: {  	[smem:$0x3FB1] =	sst s7  }
0x10: {  	[smem:$0x3FB2] =	sst s8  }
0x11: {  	[smem:$0x3FB3] =	sst s9;
	s0 =	simm.s32 @!p0 $0x0  }
0x12: {  	s1 =	sld [smem:$0x3F99];
	s0 =	simm.s32 @p0 $0x1  }
0x13: {  	[smem:$0x3FB4] =	sst s0;
	s0 =	simm.s32 @!p1 $0x0  }
0x14: {  	s2 =	sld [smem:$0x3F98];
	s0 =	simm.s32 @p1 $0x1  }
0x15: {  	[smem:$0x3FB5] =	sst s0;
	s0 =	simm.s32 @!p2 $0x0  }
0x16: {  	s3 =	sld [smem:$0x3FDB];
	s0 =	simm.s32 @p2 $0x1  }
0x17: {  	s4 =	simm.s32 $0x1BF5;
	[smem:$0x3FB7] =	sst s0  }
0x18: {  	s0 =	sld [smem:$0x3F9A];
	_ =	swait.ge [sflag:s4], $0x0  }
0x19: {  	s7 =	sld [smem:$0x3F9B]  }
0x1a: {  	s8 =	sadd.s32 $0xFFFFE003, lr  }
0x1b: {  	s9 =	sadd.s32 $0xFFFFFEF7, lr;
	s5 =	simm.s32 $0xFFFFFFFF;
	p2 =	slt.u32 s8, $0xFFFFF086  }
0x1c: {  	p1 =	slt.u32 s9, $0xF7A;
	s5 =	simm.s32 @!p2 $0x0  }
0x1d: {  	s5 =	simm.s32 @p1 $0x1;
	p0 =	seq.s32 s7, s2  }
0x1e: {  	s7 =	smul.u32 @!p0 $0xF7A, s2;
	p2 =	seq.s32 @!p0 s5, $0x0  }
0x1f: {  	s9 =	smul.u32 $0xF7A, s1;
	s8 =	simm.s32 @!p0 $0x1BF5;
	p2 =	por !p2, p0  }
0x20: {  	[sflag:s8] =	ssyncset.s32 @!p0 $0xFFFFF086;
	s6 =	sadd.s32 @!p0 s3, s7;
	s7 =	simm.s32 @!p0 $0x108  }
0x21: {  	s3 =	sadd.s32 s3, s9;
	s6 =	sadd.s32 @!p0 $0x88, s6;
	s7 =	simm.s32 @p2 $0x1082  }
0x22: {  	[simem:s7], [sflag:s8] =	dma.local @!p0 [hbm:s6], $0xF7A  }
0x23: {  	s9 =	sor.u32 $0xD0000000, s2;
	s6 =	simm.s32 $0x108;
	_ =	swait.ge @!p0 [sflag:s8], $0x0  }
0x24: {  	s3 =	sadd.s32 $0x88, s3;
	s6 =	simm.s32 @!p1 $0x1082;
	[sflag:s4] =	ssyncset.s32 $0xFFFFF086  }
0x25: {  	[simem:s6], [sflag:s4] =	dma.local [hbm:s3], $0xF7A  }
0x26: {  	[smem:$0x3F9B] =	sst s1;
	(tag) =	ssettag s2;
	_ =	strace s9  }
0x27: {  	s1 =	sld [smem:$0x3FAB]  }
0x28: {  	s2 =	sld [smem:$0x3FAC]  }
0x29: {  	s4 =	sld [smem:$0x3FAE]  }
0x2a: {  	p0 =	seq.s32 s5, $0x0;
	s5 =	sld [smem:$0x3FAF]  }
0x2b: {  	s6 =	sld [smem:$0x3FB0]  }
0x2c: {  	s7 =	sld [smem:$0x3FB1]  }
0x2d: {  	s3 =	simm.s32 $0x108;
	s8 =	sld [smem:$0x3FB2]  }
0x2e: {  	s3 =	simm.s32 @!p0 $0x1082;
	s9 =	sld [smem:$0x3FB3]  }
0x2f: {  	lr =	sadd.s32 s0, s3;
	s0 =	sld [smem:$0x3FAA]  }
0x30: {  	s3 =	sld [smem:$0x3FAD]  }
0x31: {  	[smem:$0x3FB6] =	sst s10  }
0x32: {  	s10 =	sld [smem:$0x3FB4];
	_ =	sdelay $0x3  }
0x33: {  	p0 =	seq.s32 s10, $0x1;
	s10 =	sld [smem:$0x3FB6];
	_ =	sdelay $0x3  }
0x34: {  	[smem:$0x3FB6] =	sst s10  }
0x35: {  	s10 =	sld [smem:$0x3FB5];
	_ =	sdelay $0x3  }
0x36: {  	p1 =	seq.s32 s10, $0x1;
	s10 =	sld [smem:$0x3FB6];
	_ =	sdelay $0x3  }
0x37: {  	[smem:$0x3FB6] =	sst s10  }
0x38: {  	s10 =	sld [smem:$0x3FB7]  }
0x39: {  	_ = 	snop;
	(pc) =	sbr.ind lr, $3  }
0x3a: {  	_ = 	snop  }
0x3b: {  	_ = 	snop  }
0x3c: {  	p2 =	seq.s32 s10, $0x1;
	s10 =	sld [smem:$0x3FB6]  }
0x3d: {  	_ =	shalt  }
0x3e: {  	_ =	shalt  }
0x3f: {  	_ =	shalt  }
0x40: {  	_ =	shalt  }
0x41: {  	_ =	shalt  }
0x42: {  	_ =	shalt  }
0x43: {  	_ =	shalt  }
0x44: {  	_ =	shalt  }
0x45: {  	_ =	shalt  }
0x46: {  	_ =	shalt  }
0x47: {  	_ =	shalt  }
0x48: {  	_ =	shalt  }
0x49: {  	_ =	shalt  }
0x4a: {  	_ =	shalt  }
0x4b: {  	_ =	shalt  }
0x4c: {  	_ =	shalt  }
0x4d: {  	_ =	shalt  }
0x4e: {  	_ =	shalt  }
0x4f: {  	_ =	shalt  }
0x50: {  	_ =	shalt  }
0x51: {  	_ =	shalt  }
0x52: {  	_ =	shalt  }
0x53: {  	_ =	shalt  }
0x54: {  	_ =	shalt  }
0x55: {  	_ =	shalt  }
0x56: {  	_ =	shalt  }
0x57: {  	_ =	shalt  }
0x58: {  	_ =	shalt  }
0x59: {  	_ =	shalt  }
0x5a: {  	_ =	shalt  }
0x5b: {  	_ =	shalt  }
0x5c: {  	_ =	shalt  }
0x5d: {  	_ =	shalt  }
0x5e: {  	_ =	shalt  }
0x5f: {  	_ =	shalt  }
0x60: {  	_ =	shalt  }
0x61: {  	_ =	shalt  }
0x62: {  	_ =	shalt  }
0x63: {  	_ =	shalt  }
0x64: {  	_ =	shalt  }
0x65: {  	_ =	shalt  }
0x66: {  	_ =	shalt  }
0x67: {  	_ =	shalt  }
0x68: {  	_ =	shalt  }
0x69: {  	_ =	shalt  }
0x6a: {  	_ =	shalt  }
0x6b: {  	_ =	shalt  }
0x6c: {  	_ =	shalt  }
0x6d: {  	_ =	shalt  }
0x6e: {  	_ =	shalt  }
0x6f: {  	_ =	shalt  }
0x70: {  	_ =	shalt  }
0x71: {  	_ =	shalt  }
0x72: {  	_ =	shalt  }
0x73: {  	_ =	shalt  }
0x74: {  	_ =	shalt  }
0x75: {  	_ =	shalt  }
0x76: {  	_ =	shalt  }
0x77: {  	_ =	shalt  }
0x78: {  	_ =	shalt  }
0x79: {  	_ =	shalt  }
0x7a: {  	_ =	shalt  }
0x7b: {  	_ =	shalt  }
0x7c: {  	_ =	shalt  }
0x7d: {  	_ =	shalt  }
0x7e: {  	_ =	shalt  }
0x7f: {  	_ =	shalt  }
0x80: {  	_ =	shalt  }
0x81: {  	_ =	shalt  }
0x82: {  	_ =	shalt  }
0x83: {  	_ =	shalt  }
0x84: {  	_ =	shalt  }
0x85: {  	_ =	shalt  }
0x86: {  	_ =	shalt  }
0x87: {  	_ =	shalt  }
.Lfunc_end0:
.L_simem_size_0:
called_computation_lowered:
.L_overlay_start_0:
0x88: {  	s2 =	sld [smem:$0x3FD9]  }
0x89: {  	s3 =	sld [smem:$0x3FFE];
	_ =	sdelay $0x1  }
0x8a: {  	s1 =	srdreg.scid  }
0x8b: {  	s0 =	sand.u32 $0x1, s1  }
0x8c: {  	s17 =	sshll.u32 s0, $0xA;
	s2 =	sadd.s32 s3, s2  }
0x8d: {  	s2 =	sadd.s32 s2, s17  }
0x8e: {  	[smem:$0x3FC2] =	sst s2  }
0x8f: {  	_ = 	snop  }
0x90: {  	s2 =	sld [smem:$0x3FC9]  }
0x91: {  	s18 =	sld [smem:$0x3FC8];
	(tm) =	ssettm $0x1  }
0x92: {  	s4 =	sld [smem:$0x3FFB];
	_ =	sdelay $0x3  }
0x93: {  	_ =	strace s4  }
0x94: {  	s4 =	sld [smem:$0x3FFC];
	_ =	sdelay $0x3  }
0x95: {  	_ =	strace s4  }
0x96: {  	s4 =	sld [smem:$0x3FFD];
	_ =	sdelay $0x3  }
0x97: {  	_ =	strace s4  }
0x98: {  	_ =	strace $0x8FFFFFFF  }
0x99: {  	s19 =	sld [smem:$0x3FDB];
	_ =	sdelay $0x1  }
0x9a: {  	s5 =	simm.s32 $_scs_section_size  }
0x9b: {  	s6 =	simm.s32 $_size__tile_overlayer_lowered;
	s7 =	simm.s32 $_tile_overlayer_lowered  }
0x9c: {  	s22 =	simm.s32 $0x1BFF;
	s21 =	sshll.u32 s7, $0x1;
	s4 =	sadd.s32 s5, s19  }
0x9d: {  	s8 =	simm.s32 $0x0;
	s20 =	sshll.u32 s6, $0x1;
	s6 =	sadd.s32 s21, s4  }
0x9e: {  	[timem:s8], [sflag:s22] =	dma.local [hbm:s6], s20  }
0x9f: {  	_ =	swait.ge [sflag:s22], s20  }
0xa0: {  	s5 =	ssub.s32 $0x0, s20;
	[sflag:s22] =	ssyncset.done $0x0  }
0xa1: {  	[sflag:s22] =	ssyncadd.s32 s5;
	_ =	sdelay $0x1  }
0xa2: {  	s23 =	simm.s32 $0x1B8B  }
0xa3: {  	_ =	swait.ge [sflag:s23], $0x1  }
0xa4: {  	[sflag:s23] =	ssyncset.done $0x0  }
0xa5: {  	s25 =	simm.s32 $0x1B8E;
	s24 =	sld [smem:$0x3FFE];
	[sflag:s23] =	ssyncadd.s32 $0xFFFFFFFF  }
0xa6: {  	s26 =	simm.s32 $execute0_lowered;
	[smem:$0x3FD2] =	sst s25  }
0xa7: {  	s6 =	sshll.u32 s26, $0x1;
	_ =	strace $0x80000046;
	[dreg:$0x1] =	wrdreg $0xFFFFFFFF  }
0xa8: {  	s28 =	simm.s32 $_size_execute0_lowered;
	s4 =	sadd.s32 s4, s6;
	[dreg:$0x0] =	wrdreg $0x0  }
0xa9: {  	s6 =	sshll.u32 s28, $0x1;
	[dreg:$0x2] =	wrdreg s4  }
0xaa: {  	[dreg:$0x3] =	wrdreg s6  }
0xab: {  	[dreg:$0x4] =	wrdreg $0xC0  }
0xac: {  	_ =	task [dreg:s8], $0x5FFFF  }
0xad: {  	[dreg:$0x1] =	wrdreg $0xFFFFFFFF  }
0xae: {  	[dreg:$0x0] =	wrdreg $0x60  }
0xaf: {  	[dreg:$0x2] =	wrdreg s2  }
0xb0: {  	[dreg:$0x3] =	wrdreg s18  }
0xb1: {  	[dreg:$0x4] =	wrdreg s24  }
0xb2: {  	[dreg:$0x5] =	wrdreg $0x9  }
0xb3: {  	_ =	task.clear_ibuf [dreg:s8], $0x6FFFF;
	_ =	strace $0x90000046  }
0xb4: {  	s29 =	simm.s32 $0x9;
	_ =	strace $0x80000048  }
0xb5: {  	_ =	swait.ge [sflag:s29], $0x1  }
0xb6: {  	[sflag:s29] =	ssyncadd.s32 $0xFFFFFFFF  }
0xb7: {  	_ =	strace $0x90000048  }
0xb8: {  	_ =	sfence  }
0xb9: {  	s30 =	sld [smem:$0x0];
	_ =	sdelay $0x2  }
0xba: {  	s31 =	sshll.u32 s1, $0xD;
	s1 =	sshrl.u32 s1, $0x2  }
0xbb: {  	s3 =	sand.u32 $0x4000, s31;
	s1 =	sadd.s32 s1, s30  }
0xbc: {  	s0 =	sor.u32 s3, s0;
	s1 =	sshll.u32 s1, $0x11  }
0xbd: {  	s0 =	sor.u32 s1, s0  }
0xbe: {  	s0 =	sadd.s32 $0x8F2B, s0  }
0xbf: {  	[sflag:s0] =	ssyncadd.remote.s32 $0x1  }
0xc0: {  	_ =	sfence.sel $0xFFFF  }
0xc1: {  	[dreg:$0x0] =	wrdreg $0xFFFFFFFF;
	(pc) =	sbr.abs _section_cstart, $3  }
0xc2: {  	[dreg:$0x1] =	wrdreg $0xFFFFFFFF  }
0xc3: {  	_ =	task.clear_ibuf [dreg:s8], $0x2FFFF;
	_ =	strace $0x9FFFFFFF  }
0xc4: {  	(tm) =	ssettm $0x7FFFFFFF  }
0xc5: {  	_ =	shalt  }
tec
execute0_lowered:
.L_overlay_start_1:
0x0: {  	(tag) =	ssettag $0x1  }
0x1: {  	s0 =	rddreg [dreg:$0x0]  }
0x2: {  	s6 =	stileid.u32;
	s2 =	rddreg [dreg:$0x1]  }
0x3: {  	s1 =	srdreg.scid;
	s4 =	rddreg [dreg:$0x2];
	s12 =	simm.s32 $0x2  }
0x4: {  	s13 =	simm.s32 $0x4;
	s16 =	simm.s32 $0x900;
	s17 =	simm.s32 $0x1100  }
0x5: {  	s28 =	simm.s32 $0x6100;
	s29 =	simm.s32 $0x6900;
	s30 =	simm.s32 $0x7100  }
0x6: {  	s31 =	simm.s32 $0x7900;
	s10 =	simm.s32 $0xA100;
	s11 =	simm.s32 $0x1  }
0x7: {  	s3 =	sshll.u32 s6, $0x1;
	s1 =	sand.u32 $0x1, s1;
	s6 =	sshrl.u32 s6, $0x2  }
0x8: {  	s18 =	sadd.s32 $0x8, s0;
	s4 =	sadd.s32 $0xC00, s4;
	s5 =	sand.u32 $0x6, s3  }
0x9: {  	s3 =	simm.s32 $0x0;
	s8 =	sshll.u32 s6, $0x8;
	s6 =	sshll.u32 s6, $0x4  }
0xa: {  	s5 =	sor.u32 s1, s5;
	[smem:$0x7FF] =	sst s3;
	s1 =	ssub.s32 $0x2, s1  }
0xb: {  	s7 =	sshll.u32 s5, $0x5;
	s5 =	sshll.u32 s5, $0x7;
	_ =	strace $0x80000047  }
0xc: {  	s23 =	sshrl.u32 s1, $0x1;
	s7 =	sor.u32 s8, s7;
	s5 =	sor.u32 s6, s5  }
0xd: {  	s1 =	ssub.s32 s1, s23;
	s23 =	simm.s32 $0x4100;
	s6 =	sadd.s32 s0, s5  }
0xe: {  	s9 =	smul.u32 $0x300, s7;
	s19 =	sadd.s32 s5, s18;
	[dreg:$0x4] =	wrdreg s6  }
0xf: {  	s7 =	smul.u32 $0x1800, s7;
	s5 =	sor.u32 $0x40, s5;
	[dreg:$0x5] =	wrdreg s19  }
0x10: {  	s0 =	sadd.s32 s0, s5;
	s24 =	sadd.s32 s5, s18;
	s5 =	sadd.s32 $0x200, s2  }
0x11: {  	s6 =	smax.u32 s1, $0x1;
	s18 =	simm.s32 $0x1900;
	s19 =	simm.s32 $0x2100  }
0x12: {  	s20 =	sadd.s32 s4, s9;
	s7 =	sshrl.u32 s7, $0x3;
	[dreg:$0x7] =	wrdreg s0  }
0x13: {  	[dreg:$0x9] =	wrdreg s24;
	s9 =	simm.s32 $0x3;
	s21 =	sadd.s32 s4, s7  }
0x14: {  	s24 =	simm.s32 $0x4900;
	[dreg:$0x6] =	wrdreg s20;
	s22 =	sadd.s32 $0x1800, s21  }
0x15: {  	s4 =	sadd.s32 $0x100, s2;
	s25 =	sadd.s32 $0x3000, s21;
	[dreg:$0x8] =	wrdreg s22  }
0x16: {  	v2 =	vlaneseq.u32;
	s7 =	simm.s32 $0x5;
	s26 =	sadd.s32 $0x4800, s21;
	[dreg:$0xa] =	wrdreg s25  }
0x17: {  	vm0 =	vmmov $0xffff;
	v1 =	vshrl.u32 v2, $0x3;
	s20 =	simm.s32 $0x2900;
	s21 =	simm.s32 $0x3100;
	[dreg:$0xb] =	wrdreg s26  }
0x18: {  	v0 =	vand.u32 $0x7, v2;
	v2 =	vor.u32 $0x8, v2;
	v1 =	vmul.u32 $0x8, v1;
	s22 =	simm.s32 $0x3900;
	s25 =	simm.s32 $0x5100;
	s26 =	simm.s32 $0x5900  }
.LBB2_1:
0x19: {  	s14 =	rddreg [dreg:$0x4]  }
0x1a: {  	[tilespmem:s3], [sflag:$0x5] =	stream.linear.gather [hbm4b:s14+s3], $0x40, $0x38;
	[tilespmem:$0x18100] =	vst v63  }
0x1b: {  	_ =	swait.ge [sflag:s7], $0x40  }
0x1c: {  	[sflag:s7] =	ssyncset.done $0x0  }
0x1d: {  	[sflag:s7] =	ssyncadd.s32 $0xFFFFFFC0  }
0x1e: {  	v3 =	vld [tilespmem:$0x0];
	_ =	sdelay $0x4  }
0x1f: {  	v4 =	vshrl.u32 v3, $0x3  }
0x20: {  	v4 =	vmul.u32 $0x30, v4  }
0x21: {  	v3 =	vand.u32 $0x7, v3  }
0x22: {  	v3 =	vor.u32 v3, v4  }
0x23: {  	v4 =	vperm.xlane v3, v0;
	_ =	sdelay $0x1  }
0x24: {  	v4 =	vadd.s32 v1, v4;
	_ =	sdelay $0x3  }
0x25: {  	s0 =	simm.s32 $0x100;
	v3 =	vperm.xlane v3, v2  }
0x26: {  	[tilespmem:s0], [sflag:$0x1] =	stream.indirect_vreg.gather [hbm4b:s2+s3], $0x80, v4, vm0, $0xb8;
	[tilespmem:$0x18100] =	vst v63  }
0x27: {  	v3 =	vadd.s32 v1, v3  }
0x28: {  	[tilespmem:s16], [sflag:$0x1] =	stream.indirect_vreg.gather [hbm4b:s4+s3], $0x80, v4, vm0, $0xb8;
	[tilespmem:$0x18100] =	vst v63  }
0x29: {  	_ = 	snop  }
0x2a: {  	[tilespmem:s17], [sflag:$0x1] =	stream.indirect_vreg.gather [hbm4b:s5+s3], $0x80, v4, vm0, $0xb8;
	[tilespmem:$0x18100] =	vst v63  }
0x2b: {  	_ = 	snop  }
0x2c: {  	[tilespmem:s18], [sflag:$0x1] =	stream.indirect_vreg.gather [hbm4b:s2+s3], $0x80, v3, vm0, $0xb8;
	[tilespmem:$0x18100] =	vst v63  }
0x2d: {  	_ = 	snop  }
0x2e: {  	[tilespmem:s19], [sflag:$0x1] =	stream.indirect_vreg.gather [hbm4b:s4+s3], $0x80, v3, vm0, $0xb8;
	[tilespmem:$0x18100] =	vst v63  }
0x2f: {  	_ = 	snop  }
0x30: {  	[tilespmem:s20], [sflag:$0x1] =	stream.indirect_vreg.gather [hbm4b:s5+s3], $0x80, v3, vm0, $0xb8;
	[tilespmem:$0x18100] =	vst v63  }
0x31: {  	v3 =	vld [tilespmem:$0x10];
	_ =	sdelay $0x4  }
0x32: {  	v49 =	vshrl.u32 v3, $0x3  }
0x33: {  	v4 =	vmul.u32 $0x30, v49  }
0x34: {  	v3 =	vand.u32 $0x7, v3  }
0x35: {  	v3 =	vor.u32 v3, v4  }
0x36: {  	v4 =	vperm.xlane v3, v0;
	_ =	sdelay $0x1  }
0x37: {  	v4 =	vadd.s32 v1, v4;
	_ =	sdelay $0x3  }
0x38: {  	v3 =	vperm.xlane v3, v2  }
0x39: {  	[tilespmem:s21], [sflag:$0x1] =	stream.indirect_vreg.gather [hbm4b:s2+s3], $0x80, v4, vm0, $0xb8;
	[tilespmem:$0x18100] =	vst v63  }
0x3a: {  	v3 =	vadd.s32 v1, v3  }
0x3b: {  	[tilespmem:s22], [sflag:$0x1] =	stream.indirect_vreg.gather [hbm4b:s4+s3], $0x80, v4, vm0, $0xb8;
	[tilespmem:$0x18100] =	vst v63  }
0x3c: {  	_ = 	snop  }
0x3d: {  	[tilespmem:s23], [sflag:$0x1] =	stream.indirect_vreg.gather [hbm4b:s5+s3], $0x80, v4, vm0, $0xb8;
	[tilespmem:$0x18100] =	vst v63  }
0x3e: {  	_ = 	snop  }
0x3f: {  	[tilespmem:s24], [sflag:$0x1] =	stream.indirect_vreg.gather [hbm4b:s2+s3], $0x80, v3, vm0, $0xb8;
	[tilespmem:$0x18100] =	vst v63  }
0x40: {  	_ = 	snop  }
0x41: {  	[tilespmem:s25], [sflag:$0x1] =	stream.indirect_vreg.gather [hbm4b:s4+s3], $0x80, v3, vm0, $0xb8;
	[tilespmem:$0x18100] =	vst v63  }
0x42: {  	_ = 	snop  }
0x43: {  	[tilespmem:s26], [sflag:$0x1] =	stream.indirect_vreg.gather [hbm4b:s5+s3], $0x80, v3, vm0, $0xb8;
	[tilespmem:$0x18100] =	vst v63  }
0x44: {  	v3 =	vld [tilespmem:$0x20];
	_ =	sdelay $0x4  }
0x45: {  	v50 =	vshrl.u32 v3, $0x3  }
0x46: {  	v4 =	vmul.u32 $0x30, v50  }
0x47: {  	v3 =	vand.u32 $0x7, v3  }
0x48: {  	v3 =	vor.u32 v3, v4  }
0x49: {  	v4 =	vperm.xlane v3, v0;
	_ =	sdelay $0x1  }
0x4a: {  	v4 =	vadd.s32 v1, v4;
	_ =	sdelay $0x3  }
0x4b: {  	v3 =	vperm.xlane v3, v2  }
0x4c: {  	[tilespmem:s28], [sflag:$0x1] =	stream.indirect_vreg.gather [hbm4b:s2+s3], $0x80, v4, vm0, $0xb8;
	[tilespmem:$0x18100] =	vst v63  }
0x4d: {  	v3 =	vadd.s32 v1, v3  }
0x4e: {  	[tilespmem:s29], [sflag:$0x1] =	stream.indirect_vreg.gather [hbm4b:s4+s3], $0x80, v4, vm0, $0xb8;
	[tilespmem:$0x18100] =	vst v63  }
0x4f: {  	_ = 	snop  }
0x50: {  	[tilespmem:s30], [sflag:$0x1] =	stream.indirect_vreg.gather [hbm4b:s5+s3], $0x80, v4, vm0, $0xb8;
	[tilespmem:$0x18100] =	vst v63  }
0x51: {  	_ = 	snop  }
0x52: {  	[tilespmem:s31], [sflag:$0x1] =	stream.indirect_vreg.gather [hbm4b:s2+s3], $0x80, v3, vm0, $0xb8;
	[tilespmem:$0x18100] =	vst v63  }
0x53: {  	s14 =	simm.s32 $0x8100  }
0x54: {  	[tilespmem:s14], [sflag:$0x1] =	stream.indirect_vreg.gather [hbm4b:s4+s3], $0x80, v3, vm0, $0xb8;
	[tilespmem:$0x18100] =	vst v63  }
0x55: {  	s15 =	simm.s32 $0x8900  }
0x56: {  	[tilespmem:s15], [sflag:$0x1] =	stream.indirect_vreg.gather [hbm4b:s5+s3], $0x80, v3, vm0, $0xb8;
	[tilespmem:$0x18100] =	vst v63  }
0x57: {  	v3 =	vld [tilespmem:$0x30];
	_ =	sdelay $0x4  }
0x58: {  	v51 =	vshrl.u32 v3, $0x3  }
0x59: {  	v4 =	vmul.u32 $0x30, v51  }
0x5a: {  	v3 =	vand.u32 $0x7, v3  }
0x5b: {  	v3 =	vor.u32 v3, v4  }
0x5c: {  	v4 =	vperm.xlane v3, v0;
	_ =	sdelay $0x1  }
0x5d: {  	v4 =	vadd.s32 v1, v4;
	_ =	sdelay $0x3  }
0x5e: {  	s1 =	simm.s32 $0x9100;
	v3 =	vperm.xlane v3, v2  }
0x5f: {  	[tilespmem:s1], [sflag:$0x1] =	stream.indirect_vreg.gather [hbm4b:s2+s3], $0x80, v4, vm0, $0xb8;
	[tilespmem:$0x18100] =	vst v63  }
0x60: {  	s8 =	simm.s32 $0x9900;
	v3 =	vadd.s32 v1, v3  }
0x61: {  	[tilespmem:s8], [sflag:$0x1] =	stream.indirect_vreg.gather [hbm4b:s4+s3], $0x80, v4, vm0, $0xb8;
	[tilespmem:$0x18100] =	vst v63  }
0x62: {  	_ = 	snop  }
0x63: {  	[tilespmem:s10], [sflag:$0x1] =	stream.indirect_vreg.gather [hbm4b:s5+s3], $0x80, v4, vm0, $0xb8;
	[tilespmem:$0x18100] =	vst v63  }
0x64: {  	s14 =	simm.s32 $0xA900  }
0x65: {  	[tilespmem:s14], [sflag:$0x1] =	stream.indirect_vreg.gather [hbm4b:s2+s3], $0x80, v3, vm0, $0xb8;
	[tilespmem:$0x18100] =	vst v63  }
0x66: {  	s15 =	simm.s32 $0xB100  }
0x67: {  	[tilespmem:s15], [sflag:$0x1] =	stream.indirect_vreg.gather [hbm4b:s4+s3], $0x80, v3, vm0, $0xb8;
	[tilespmem:$0x18100] =	vst v63  }
0x68: {  	s1 =	simm.s32 $0xB900  }
0x69: {  	[tilespmem:s1], [sflag:$0x1] =	stream.indirect_vreg.gather [hbm4b:s5+s3], $0x80, v3, vm0, $0xb8;
	[tilespmem:$0x18100] =	vst v63  }
0x6a: {  	s0 =	rddreg [dreg:$0x5];
	s8 =	simm.s32 $0x80  }
0x6b: {  	[tilespmem:s8], [sflag:$0x5] =	stream.linear.gather [hbm4b:s0+s3], $0x40, $0x38;
	[tilespmem:$0x18100] =	vst v63  }
0x6c: {  	_ =	swait.ge [sflag:s7], $0x40  }
0x6d: {  	[sflag:s7] =	ssyncset.done $0x0  }
0x6e: {  	[sflag:s7] =	ssyncadd.s32 $0xFFFFFFC0  }
0x6f: {  	v3 =	vld [tilespmem:$0x80];
	_ =	sdelay $0x4  }
0x70: {  	v52 =	vshrl.u32 v3, $0x3  }
0x71: {  	v4 =	vmul.u32 $0x30, v52  }
0x72: {  	v3 =	vand.u32 $0x7, v3  }
0x73: {  	v3 =	vor.u32 v3, v4  }
0x74: {  	v4 =	vperm.xlane v3, v0;
	_ =	sdelay $0x1  }
0x75: {  	v4 =	vadd.s32 v1, v4;
	_ =	sdelay $0x3  }
0x76: {  	s0 =	simm.s32 $0xC100;
	v3 =	vperm.xlane v3, v2  }
0x77: {  	[tilespmem:s0], [sflag:$0x2] =	stream.indirect_vreg.gather [hbm4b:s2+s3], $0x80, v4, vm0, $0xb8;
	[tilespmem:$0x18100] =	vst v63  }
0x78: {  	s8 =	simm.s32 $0xC900;
	v3 =	vadd.s32 v1, v3  }
0x79: {  	[tilespmem:s8], [sflag:$0x2] =	stream.indirect_vreg.gather [hbm4b:s4+s3], $0x80, v4, vm0, $0xb8;
	[tilespmem:$0x18100] =	vst v63  }
0x7a: {  	s15 =	simm.s32 $0xD100  }
0x7b: {  	[tilespmem:s15], [sflag:$0x2] =	stream.indirect_vreg.gather [hbm4b:s5+s3], $0x80, v4, vm0, $0xb8;
	[tilespmem:$0x18100] =	vst v63  }
0x7c: {  	s14 =	simm.s32 $0xD900  }
0x7d: {  	[tilespmem:s14], [sflag:$0x2] =	stream.indirect_vreg.gather [hbm4b:s2+s3], $0x80, v3, vm0, $0xb8;
	[tilespmem:$0x18100] =	vst v63  }
0x7e: {  	s15 =	simm.s32 $0xE100  }
0x7f: {  	[tilespmem:s15], [sflag:$0x2] =	stream.indirect_vreg.gather [hbm4b:s4+s3], $0x80, v3, vm0, $0xb8;
	[tilespmem:$0x18100] =	vst v63  }
0x80: {  	s14 =	simm.s32 $0xE900  }
0x81: {  	[tilespmem:s14], [sflag:$0x2] =	stream.indirect_vreg.gather [hbm4b:s5+s3], $0x80, v3, vm0, $0xb8;
	[tilespmem:$0x18100] =	vst v63  }
0x82: {  	v3 =	vld [tilespmem:$0x90];
	_ =	sdelay $0x4  }
0x83: {  	v53 =	vshrl.u32 v3, $0x3  }
0x84: {  	v4 =	vmul.u32 $0x30, v53  }
0x85: {  	v3 =	vand.u32 $0x7, v3  }
0x86: {  	v3 =	vor.u32 v3, v4  }
0x87: {  	v4 =	vperm.xlane v3, v0;
	_ =	sdelay $0x1  }
0x88: {  	v4 =	vadd.s32 v1, v4;
	_ =	sdelay $0x3  }
0x89: {  	s15 =	simm.s32 $0xF100;
	v3 =	vperm.xlane v3, v2  }
0x8a: {  	[tilespmem:s15], [sflag:$0x2] =	stream.indirect_vreg.gather [hbm4b:s2+s3], $0x80, v4, vm0, $0xb8;
	[tilespmem:$0x18100] =	vst v63  }
0x8b: {  	s14 =	simm.s32 $0xF900;
	v3 =	vadd.s32 v1, v3  }
0x8c: {  	[tilespmem:s14], [sflag:$0x2] =	stream.indirect_vreg.gather [hbm4b:s4+s3], $0x80, v4, vm0, $0xb8;
	[tilespmem:$0x18100] =	vst v63  }
0x8d: {  	s15 =	simm.s32 $0x10100  }
0x8e: {  	[tilespmem:s15], [sflag:$0x2] =	stream.indirect_vreg.gather [hbm4b:s5+s3], $0x80, v4, vm0, $0xb8;
	[tilespmem:$0x18100] =	vst v63  }
0x8f: {  	s14 =	simm.s32 $0x10900  }
0x90: {  	[tilespmem:s14], [sflag:$0x2] =	stream.indirect_vreg.gather [hbm4b:s2+s3], $0x80, v3, vm0, $0xb8;
	[tilespmem:$0x18100] =	vst v63  }
0x91: {  	s15 =	simm.s32 $0x11100  }
0x92: {  	[tilespmem:s15], [sflag:$0x2] =	stream.indirect_vreg.gather [hbm4b:s4+s3], $0x80, v3, vm0, $0xb8;
	[tilespmem:$0x18100] =	vst v63  }
0x93: {  	s14 =	simm.s32 $0x11900  }
0x94: {  	[tilespmem:s14], [sflag:$0x2] =	stream.indirect_vreg.gather [hbm4b:s5+s3], $0x80, v3, vm0, $0xb8;
	[tilespmem:$0x18100] =	vst v63  }
0x95: {  	v3 =	vld [tilespmem:$0xA0];
	_ =	sdelay $0x4  }
0x96: {  	v54 =	vshrl.u32 v3, $0x3  }
0x97: {  	v4 =	vmul.u32 $0x30, v54  }
0x98: {  	v3 =	vand.u32 $0x7, v3  }
0x99: {  	v3 =	vor.u32 v3, v4  }
0x9a: {  	v4 =	vperm.xlane v3, v0;
	_ =	sdelay $0x1  }
0x9b: {  	v4 =	vadd.s32 v1, v4;
	_ =	sdelay $0x3  }
0x9c: {  	s15 =	simm.s32 $0x12100;
	v3 =	vperm.xlane v3, v2  }
0x9d: {  	[tilespmem:s15], [sflag:$0x2] =	stream.indirect_vreg.gather [hbm4b:s2+s3], $0x80, v4, vm0, $0xb8;
	[tilespmem:$0x18100] =	vst v63  }
0x9e: {  	s14 =	simm.s32 $0x12900;
	v3 =	vadd.s32 v1, v3  }
0x9f: {  	[tilespmem:s14], [sflag:$0x2] =	stream.indirect_vreg.gather [hbm4b:s4+s3], $0x80, v4, vm0, $0xb8;
	[tilespmem:$0x18100] =	vst v63  }
0xa0: {  	s15 =	simm.s32 $0x13100  }
0xa1: {  	[tilespmem:s15], [sflag:$0x2] =	stream.indirect_vreg.gather [hbm4b:s5+s3], $0x80, v4, vm0, $0xb8;
	[tilespmem:$0x18100] =	vst v63  }
0xa2: {  	s14 =	simm.s32 $0x13900  }
0xa3: {  	[tilespmem:s14], [sflag:$0x2] =	stream.indirect_vreg.gather [hbm4b:s2+s3], $0x80, v3, vm0, $0xb8;
	[tilespmem:$0x18100] =	vst v63  }
0xa4: {  	s15 =	simm.s32 $0x14100  }
0xa5: {  	[tilespmem:s15], [sflag:$0x2] =	stream.indirect_vreg.gather [hbm4b:s4+s3], $0x80, v3, vm0, $0xb8;
	[tilespmem:$0x18100] =	vst v63  }
0xa6: {  	s14 =	simm.s32 $0x14900  }
0xa7: {  	[tilespmem:s14], [sflag:$0x2] =	stream.indirect_vreg.gather [hbm4b:s5+s3], $0x80, v3, vm0, $0xb8;
	[tilespmem:$0x18100] =	vst v63  }
0xa8: {  	v3 =	vld [tilespmem:$0xB0];
	_ =	sdelay $0x4  }
0xa9: {  	v55 =	vshrl.u32 v3, $0x3  }
0xaa: {  	v4 =	vmul.u32 $0x30, v55  }
0xab: {  	v3 =	vand.u32 $0x7, v3  }
0xac: {  	v3 =	vor.u32 v3, v4  }
0xad: {  	v4 =	vperm.xlane v3, v0;
	_ =	sdelay $0x1  }
0xae: {  	v4 =	vadd.s32 v1, v4;
	_ =	sdelay $0x3  }
0xaf: {  	s15 =	simm.s32 $0x15100;
	v3 =	vperm.xlane v3, v2  }
0xb0: {  	[tilespmem:s15], [sflag:$0x2] =	stream.indirect_vreg.gather [hbm4b:s2+s3], $0x80, v4, vm0, $0xb8;
	[tilespmem:$0x18100] =	vst v63  }
0xb1: {  	s14 =	simm.s32 $0x15900;
	v3 =	vadd.s32 v1, v3  }
0xb2: {  	[tilespmem:s14], [sflag:$0x2] =	stream.indirect_vreg.gather [hbm4b:s4+s3], $0x80, v4, vm0, $0xb8;
	[tilespmem:$0x18100] =	vst v63  }
0xb3: {  	s15 =	simm.s32 $0x16100  }
0xb4: {  	[tilespmem:s15], [sflag:$0x2] =	stream.indirect_vreg.gather [hbm4b:s5+s3], $0x80, v4, vm0, $0xb8;
	[tilespmem:$0x18100] =	vst v63  }
0xb5: {  	s14 =	simm.s32 $0x16900  }
0xb6: {  	[tilespmem:s14], [sflag:$0x2] =	stream.indirect_vreg.gather [hbm4b:s2+s3], $0x80, v3, vm0, $0xb8;
	[tilespmem:$0x18100] =	vst v63  }
0xb7: {  	s15 =	simm.s32 $0x17100  }
0xb8: {  	[tilespmem:s15], [sflag:$0x2] =	stream.indirect_vreg.gather [hbm4b:s4+s3], $0x80, v3, vm0, $0xb8;
	[tilespmem:$0x18100] =	vst v63  }
0xb9: {  	s14 =	simm.s32 $0x17900  }
0xba: {  	[tilespmem:s14], [sflag:$0x2] =	stream.indirect_vreg.gather [hbm4b:s5+s3], $0x80, v3, vm0, $0xb8;
	[tilespmem:$0x18100] =	vst v63  }
0xbb: {  	_ =	swait.ge [sflag:s11], $0xC000  }
0xbc: {  	[sflag:s11] =	ssyncset.done $0x0  }
0xbd: {  	s8 =	simm.s32 $0x100;
	s14 =	rddreg [dreg:$0x6];
	[sflag:s11] =	ssyncadd.s32 $0xFFFF4000  }
0xbe: {  	[hbm4b:s14+s3] =	stream.linear.scatter [tilespmem:s8], [sflag:$0x3], $0xC000, $0x38;
	[tilespmem:$0x18100] =	vst v63  }
0xbf: {  	s15 =	rddreg [dreg:$0x7]  }
0xc0: {  	[tilespmem:s3], [sflag:$0x5] =	stream.linear.gather [hbm4b:s15+s3], $0x40, $0x38;
	[tilespmem:$0x18100] =	vst v63  }
0xc1: {  	_ =	swait.ge [sflag:s7], $0x40  }
0xc2: {  	[sflag:s7] =	ssyncset.done $0x0  }
0xc3: {  	[sflag:s7] =	ssyncadd.s32 $0xFFFFFFC0  }
0xc4: {  	_ =	swait.ge [sflag:s9], $0xC000  }
0xc5: {  	[sflag:s9] =	ssyncset.done $0x0  }
0xc6: {  	[sflag:s9] =	ssyncadd.s32 $0xFFFF4000  }
0xc7: {  	v3 =	vld [tilespmem:$0x0];
	_ =	sdelay $0x4  }
0xc8: {  	v56 =	vshrl.u32 v3, $0x3  }
0xc9: {  	v4 =	vmul.u32 $0x30, v56  }
0xca: {  	v3 =	vand.u32 $0x7, v3  }
0xcb: {  	v3 =	vor.u32 v3, v4  }
0xcc: {  	v4 =	vperm.xlane v3, v0;
	_ =	sdelay $0x1  }
0xcd: {  	v4 =	vadd.s32 v1, v4;
	_ =	sdelay $0x3  }
0xce: {  	v3 =	vperm.xlane v3, v2  }
0xcf: {  	[tilespmem:s8], [sflag:$0x1] =	stream.indirect_vreg.gather [hbm4b:s2+s3], $0x80, v4, vm0, $0xb8;
	[tilespmem:$0x18100] =	vst v63  }
0xd0: {  	v3 =	vadd.s32 v1, v3  }
0xd1: {  	[tilespmem:s16], [sflag:$0x1] =	stream.indirect_vreg.gather [hbm4b:s4+s3], $0x80, v4, vm0, $0xb8;
	[tilespmem:$0x18100] =	vst v63  }
0xd2: {  	_ = 	snop  }
0xd3: {  	[tilespmem:s17], [sflag:$0x1] =	stream.indirect_vreg.gather [hbm4b:s5+s3], $0x80, v4, vm0, $0xb8;
	[tilespmem:$0x18100] =	vst v63  }
0xd4: {  	_ = 	snop  }
0xd5: {  	[tilespmem:s18], [sflag:$0x1] =	stream.indirect_vreg.gather [hbm4b:s2+s3], $0x80, v3, vm0, $0xb8;
	[tilespmem:$0x18100] =	vst v63  }
0xd6: {  	_ = 	snop  }
0xd7: {  	[tilespmem:s19], [sflag:$0x1] =	stream.indirect_vreg.gather [hbm4b:s4+s3], $0x80, v3, vm0, $0xb8;
	[tilespmem:$0x18100] =	vst v63  }
0xd8: {  	_ = 	snop  }
0xd9: {  	[tilespmem:s20], [sflag:$0x1] =	stream.indirect_vreg.gather [hbm4b:s5+s3], $0x80, v3, vm0, $0xb8;
	[tilespmem:$0x18100] =	vst v63  }
0xda: {  	v3 =	vld [tilespmem:$0x10];
	_ =	sdelay $0x4  }
0xdb: {  	v57 =	vshrl.u32 v3, $0x3  }
0xdc: {  	v4 =	vmul.u32 $0x30, v57  }
0xdd: {  	v3 =	vand.u32 $0x7, v3  }
0xde: {  	v3 =	vor.u32 v3, v4  }
0xdf: {  	v4 =	vperm.xlane v3, v0;
	_ =	sdelay $0x1  }
0xe0: {  	v4 =	vadd.s32 v1, v4;
	_ =	sdelay $0x3  }
0xe1: {  	v3 =	vperm.xlane v3, v2  }
0xe2: {  	[tilespmem:s21], [sflag:$0x1] =	stream.indirect_vreg.gather [hbm4b:s2+s3], $0x80, v4, vm0, $0xb8;
	[tilespmem:$0x18100] =	vst v63  }
0xe3: {  	v3 =	vadd.s32 v1, v3  }
0xe4: {  	[tilespmem:s22], [sflag:$0x1] =	stream.indirect_vreg.gather [hbm4b:s4+s3], $0x80, v4, vm0, $0xb8;
	[tilespmem:$0x18100] =	vst v63  }
0xe5: {  	_ = 	snop  }
0xe6: {  	[tilespmem:s23], [sflag:$0x1] =	stream.indirect_vreg.gather [hbm4b:s5+s3], $0x80, v4, vm0, $0xb8;
	[tilespmem:$0x18100] =	vst v63  }
0xe7: {  	_ = 	snop  }
0xe8: {  	[tilespmem:s24], [sflag:$0x1] =	stream.indirect_vreg.gather [hbm4b:s2+s3], $0x80, v3, vm0, $0xb8;
	[tilespmem:$0x18100] =	vst v63  }
0xe9: {  	_ = 	snop  }
0xea: {  	[tilespmem:s25], [sflag:$0x1] =	stream.indirect_vreg.gather [hbm4b:s4+s3], $0x80, v3, vm0, $0xb8;
	[tilespmem:$0x18100] =	vst v63  }
0xeb: {  	_ = 	snop  }
0xec: {  	[tilespmem:s26], [sflag:$0x1] =	stream.indirect_vreg.gather [hbm4b:s5+s3], $0x80, v3, vm0, $0xb8;
	[tilespmem:$0x18100] =	vst v63  }
0xed: {  	v3 =	vld [tilespmem:$0x20];
	_ =	sdelay $0x4  }
0xee: {  	v58 =	vshrl.u32 v3, $0x3  }
0xef: {  	v4 =	vmul.u32 $0x30, v58  }
0xf0: {  	v3 =	vand.u32 $0x7, v3  }
0xf1: {  	v3 =	vor.u32 v3, v4  }
0xf2: {  	v4 =	vperm.xlane v3, v0;
	_ =	sdelay $0x1  }
0xf3: {  	v4 =	vadd.s32 v1, v4;
	_ =	sdelay $0x3  }
0xf4: {  	v3 =	vperm.xlane v3, v2  }
0xf5: {  	[tilespmem:s28], [sflag:$0x1] =	stream.indirect_vreg.gather [hbm4b:s2+s3], $0x80, v4, vm0, $0xb8;
	[tilespmem:$0x18100] =	vst v63  }
0xf6: {  	v3 =	vadd.s32 v1, v3  }
0xf7: {  	[tilespmem:s29], [sflag:$0x1] =	stream.indirect_vreg.gather [hbm4b:s4+s3], $0x80, v4, vm0, $0xb8;
	[tilespmem:$0x18100] =	vst v63  }
0xf8: {  	_ = 	snop  }
0xf9: {  	[tilespmem:s30], [sflag:$0x1] =	stream.indirect_vreg.gather [hbm4b:s5+s3], $0x80, v4, vm0, $0xb8;
	[tilespmem:$0x18100] =	vst v63  }
0xfa: {  	_ = 	snop  }
0xfb: {  	[tilespmem:s31], [sflag:$0x1] =	stream.indirect_vreg.gather [hbm4b:s2+s3], $0x80, v3, vm0, $0xb8;
	[tilespmem:$0x18100] =	vst v63  }
0xfc: {  	s15 =	simm.s32 $0x8100  }
0xfd: {  	[tilespmem:s15], [sflag:$0x1] =	stream.indirect_vreg.gather [hbm4b:s4+s3], $0x80, v3, vm0, $0xb8;
	[tilespmem:$0x18100] =	vst v63  }
0xfe: {  	s14 =	simm.s32 $0x8900  }
0xff: {  	[tilespmem:s14], [sflag:$0x1] =	stream.indirect_vreg.gather [hbm4b:s5+s3], $0x80, v3, vm0, $0xb8;
	[tilespmem:$0x18100] =	vst v63  }
0x100: {  	v3 =	vld [tilespmem:$0x30];
	_ =	sdelay $0x4  }
0x101: {  	v59 =	vshrl.u32 v3, $0x3  }
0x102: {  	v4 =	vmul.u32 $0x30, v59  }
0x103: {  	v3 =	vand.u32 $0x7, v3  }
0x104: {  	v3 =	vor.u32 v3, v4  }
0x105: {  	v4 =	vperm.xlane v3, v0;
	_ =	sdelay $0x1  }
0x106: {  	v4 =	vadd.s32 v1, v4;
	_ =	sdelay $0x3  }
0x107: {  	s15 =	simm.s32 $0x9100;
	v3 =	vperm.xlane v3, v2  }
0x108: {  	[tilespmem:s15], [sflag:$0x1] =	stream.indirect_vreg.gather [hbm4b:s2+s3], $0x80, v4, vm0, $0xb8;
	[tilespmem:$0x18100] =	vst v63  }
0x109: {  	s14 =	simm.s32 $0x9900;
	v3 =	vadd.s32 v1, v3  }
0x10a: {  	[tilespmem:s14], [sflag:$0x1] =	stream.indirect_vreg.gather [hbm4b:s4+s3], $0x80, v4, vm0, $0xb8;
	[tilespmem:$0x18100] =	vst v63  }
0x10b: {  	_ = 	snop  }
0x10c: {  	[tilespmem:s10], [sflag:$0x1] =	stream.indirect_vreg.gather [hbm4b:s5+s3], $0x80, v4, vm0, $0xb8;
	[tilespmem:$0x18100] =	vst v63  }
0x10d: {  	s15 =	simm.s32 $0xA900  }
0x10e: {  	[tilespmem:s15], [sflag:$0x1] =	stream.indirect_vreg.gather [hbm4b:s2+s3], $0x80, v3, vm0, $0xb8;
	[tilespmem:$0x18100] =	vst v63  }
0x10f: {  	s14 =	simm.s32 $0xB100  }
0x110: {  	[tilespmem:s14], [sflag:$0x1] =	stream.indirect_vreg.gather [hbm4b:s4+s3], $0x80, v3, vm0, $0xb8;
	[tilespmem:$0x18100] =	vst v63  }
0x111: {  	_ = 	snop  }
0x112: {  	[tilespmem:s1], [sflag:$0x1] =	stream.indirect_vreg.gather [hbm4b:s5+s3], $0x80, v3, vm0, $0xb8;
	[tilespmem:$0x18100] =	vst v63  }
0x113: {  	_ =	swait.ge [sflag:s12], $0xC000  }
0x114: {  	[sflag:s12] =	ssyncset.done $0x0  }
0x115: {  	s15 =	rddreg [dreg:$0x8];
	[sflag:s12] =	ssyncadd.s32 $0xFFFF4000  }
0x116: {  	[hbm4b:s15+s3] =	stream.linear.scatter [tilespmem:s0], [sflag:$0x4], $0xC000, $0x38;
	[tilespmem:$0x18100] =	vst v63  }
0x117: {  	s8 =	simm.s32 $0x80;
	s1 =	rddreg [dreg:$0x9]  }
0x118: {  	[tilespmem:s8], [sflag:$0x5] =	stream.linear.gather [hbm4b:s1+s3], $0x40, $0x38;
	[tilespmem:$0x18100] =	vst v63  }
0x119: {  	_ =	swait.ge [sflag:s7], $0x40  }
0x11a: {  	[sflag:s7] =	ssyncset.done $0x0  }
0x11b: {  	[sflag:s7] =	ssyncadd.s32 $0xFFFFFFC0  }
0x11c: {  	_ =	swait.ge [sflag:s13], $0xC000  }
0x11d: {  	[sflag:s13] =	ssyncset.done $0x0  }
0x11e: {  	[sflag:s13] =	ssyncadd.s32 $0xFFFF4000  }
0x11f: {  	v3 =	vld [tilespmem:$0x80];
	_ =	sdelay $0x4  }
0x120: {  	v60 =	vshrl.u32 v3, $0x3  }
0x121: {  	v4 =	vmul.u32 $0x30, v60  }
0x122: {  	v3 =	vand.u32 $0x7, v3  }
0x123: {  	v3 =	vor.u32 v3, v4  }
0x124: {  	v4 =	vperm.xlane v3, v0;
	_ =	sdelay $0x1  }
0x125: {  	v4 =	vadd.s32 v1, v4;
	_ =	sdelay $0x3  }
0x126: {  	v3 =	vperm.xlane v3, v2  }
0x127: {  	[tilespmem:s0], [sflag:$0x2] =	stream.indirect_vreg.gather [hbm4b:s2+s3], $0x80, v4, vm0, $0xb8;
	[tilespmem:$0x18100] =	vst v63  }
0x128: {  	s14 =	simm.s32 $0xC900;
	v3 =	vadd.s32 v1, v3  }
0x129: {  	[tilespmem:s14], [sflag:$0x2] =	stream.indirect_vreg.gather [hbm4b:s4+s3], $0x80, v4, vm0, $0xb8;
	[tilespmem:$0x18100] =	vst v63  }
0x12a: {  	s15 =	simm.s32 $0xD100  }
0x12b: {  	[tilespmem:s15], [sflag:$0x2] =	stream.indirect_vreg.gather [hbm4b:s5+s3], $0x80, v4, vm0, $0xb8;
	[tilespmem:$0x18100] =	vst v63  }
0x12c: {  	s8 =	simm.s32 $0xD900  }
0x12d: {  	[tilespmem:s8], [sflag:$0x2] =	stream.indirect_vreg.gather [hbm4b:s2+s3], $0x80, v3, vm0, $0xb8;
	[tilespmem:$0x18100] =	vst v63  }
0x12e: {  	s14 =	simm.s32 $0xE100  }
0x12f: {  	[tilespmem:s14], [sflag:$0x2] =	stream.indirect_vreg.gather [hbm4b:s4+s3], $0x80, v3, vm0, $0xb8;
	[tilespmem:$0x18100] =	vst v63  }
0x130: {  	s15 =	simm.s32 $0xE900  }
0x131: {  	[tilespmem:s15], [sflag:$0x2] =	stream.indirect_vreg.gather [hbm4b:s5+s3], $0x80, v3, vm0, $0xb8;
	[tilespmem:$0x18100] =	vst v63  }
0x132: {  	v3 =	vld [tilespmem:$0x90];
	_ =	sdelay $0x4  }
0x133: {  	v61 =	vshrl.u32 v3, $0x3  }
0x134: {  	v4 =	vmul.u32 $0x30, v61  }
0x135: {  	v3 =	vand.u32 $0x7, v3  }
0x136: {  	v3 =	vor.u32 v3, v4  }
0x137: {  	v4 =	vperm.xlane v3, v0;
	_ =	sdelay $0x1  }
0x138: {  	v4 =	vadd.s32 v1, v4;
	_ =	sdelay $0x3  }
0x139: {  	s8 =	simm.s32 $0xF100;
	v3 =	vperm.xlane v3, v2  }
0x13a: {  	[tilespmem:s8], [sflag:$0x2] =	stream.indirect_vreg.gather [hbm4b:s2+s3], $0x80, v4, vm0, $0xb8;
	[tilespmem:$0x18100] =	vst v63  }
0x13b: {  	s14 =	simm.s32 $0xF900;
	v3 =	vadd.s32 v1, v3  }
0x13c: {  	[tilespmem:s14], [sflag:$0x2] =	stream.indirect_vreg.gather [hbm4b:s4+s3], $0x80, v4, vm0, $0xb8;
	[tilespmem:$0x18100] =	vst v63  }
0x13d: {  	s15 =	simm.s32 $0x10100  }
0x13e: {  	[tilespmem:s15], [sflag:$0x2] =	stream.indirect_vreg.gather [hbm4b:s5+s3], $0x80, v4, vm0, $0xb8;
	[tilespmem:$0x18100] =	vst v63  }
0x13f: {  	s8 =	simm.s32 $0x10900  }
0x140: {  	[tilespmem:s8], [sflag:$0x2] =	stream.indirect_vreg.gather [hbm4b:s2+s3], $0x80, v3, vm0, $0xb8;
	[tilespmem:$0x18100] =	vst v63  }
0x141: {  	s14 =	simm.s32 $0x11100  }
0x142: {  	[tilespmem:s14], [sflag:$0x2] =	stream.indirect_vreg.gather [hbm4b:s4+s3], $0x80, v3, vm0, $0xb8;
	[tilespmem:$0x18100] =	vst v63  }
0x143: {  	s15 =	simm.s32 $0x11900  }
0x144: {  	[tilespmem:s15], [sflag:$0x2] =	stream.indirect_vreg.gather [hbm4b:s5+s3], $0x80, v3, vm0, $0xb8;
	[tilespmem:$0x18100] =	vst v63  }
0x145: {  	v3 =	vld [tilespmem:$0xA0];
	_ =	sdelay $0x4  }
0x146: {  	v62 =	vshrl.u32 v3, $0x3  }
0x147: {  	v4 =	vmul.u32 $0x30, v62  }
0x148: {  	v3 =	vand.u32 $0x7, v3  }
0x149: {  	v3 =	vor.u32 v3, v4  }
0x14a: {  	v4 =	vperm.xlane v3, v0;
	_ =	sdelay $0x1  }
0x14b: {  	v4 =	vadd.s32 v1, v4;
	_ =	sdelay $0x3  }
0x14c: {  	s8 =	simm.s32 $0x12100;
	v3 =	vperm.xlane v3, v2  }
0x14d: {  	[tilespmem:s8], [sflag:$0x2] =	stream.indirect_vreg.gather [hbm4b:s2+s3], $0x80, v4, vm0, $0xb8;
	[tilespmem:$0x18100] =	vst v63  }
0x14e: {  	s14 =	simm.s32 $0x12900;
	v3 =	vadd.s32 v1, v3  }
0x14f: {  	[tilespmem:s14], [sflag:$0x2] =	stream.indirect_vreg.gather [hbm4b:s4+s3], $0x80, v4, vm0, $0xb8;
	[tilespmem:$0x18100] =	vst v63  }
0x150: {  	s15 =	simm.s32 $0x13100  }
0x151: {  	[tilespmem:s15], [sflag:$0x2] =	stream.indirect_vreg.gather [hbm4b:s5+s3], $0x80, v4, vm0, $0xb8;
	[tilespmem:$0x18100] =	vst v63  }
0x152: {  	s8 =	simm.s32 $0x13900  }
0x153: {  	[tilespmem:s8], [sflag:$0x2] =	stream.indirect_vreg.gather [hbm4b:s2+s3], $0x80, v3, vm0, $0xb8;
	[tilespmem:$0x18100] =	vst v63  }
0x154: {  	s14 =	simm.s32 $0x14100  }
0x155: {  	[tilespmem:s14], [sflag:$0x2] =	stream.indirect_vreg.gather [hbm4b:s4+s3], $0x80, v3, vm0, $0xb8;
	[tilespmem:$0x18100] =	vst v63  }
0x156: {  	s15 =	simm.s32 $0x14900  }
0x157: {  	[tilespmem:s15], [sflag:$0x2] =	stream.indirect_vreg.gather [hbm4b:s5+s3], $0x80, v3, vm0, $0xb8;
	[tilespmem:$0x18100] =	vst v63  }
0x158: {  	v3 =	vld [tilespmem:$0xB0];
	_ =	sdelay $0x4  }
0x159: {  	v63 =	vshrl.u32 v3, $0x3  }
0x15a: {  	v4 =	vmul.u32 $0x30, v63  }
0x15b: {  	v3 =	vand.u32 $0x7, v3  }
0x15c: {  	v3 =	vor.u32 v3, v4  }
0x15d: {  	v4 =	vperm.xlane v3, v0;
	_ =	sdelay $0x1  }
0x15e: {  	v4 =	vadd.s32 v1, v4;
	_ =	sdelay $0x3  }
0x15f: {  	s8 =	simm.s32 $0x15100;
	v3 =	vperm.xlane v3, v2  }
0x160: {  	[tilespmem:s8], [sflag:$0x2] =	stream.indirect_vreg.gather [hbm4b:s2+s3], $0x80, v4, vm0, $0xb8;
	[tilespmem:$0x18100] =	vst v63  }
0x161: {  	s14 =	simm.s32 $0x15900;
	v3 =	vadd.s32 v1, v3  }
0x162: {  	[tilespmem:s14], [sflag:$0x2] =	stream.indirect_vreg.gather [hbm4b:s4+s3], $0x80, v4, vm0, $0xb8;
	[tilespmem:$0x18100] =	vst v63  }
0x163: {  	s15 =	simm.s32 $0x16100  }
0x164: {  	[tilespmem:s15], [sflag:$0x2] =	stream.indirect_vreg.gather [hbm4b:s5+s3], $0x80, v4, vm0, $0xb8;
	[tilespmem:$0x18100] =	vst v63  }
0x165: {  	s8 =	simm.s32 $0x16900  }
0x166: {  	[tilespmem:s8], [sflag:$0x2] =	stream.indirect_vreg.gather [hbm4b:s2+s3], $0x80, v3, vm0, $0xb8;
	[tilespmem:$0x18100] =	vst v63  }
0x167: {  	s14 =	simm.s32 $0x17100  }
0x168: {  	[tilespmem:s14], [sflag:$0x2] =	stream.indirect_vreg.gather [hbm4b:s4+s3], $0x80, v3, vm0, $0xb8;
	[tilespmem:$0x18100] =	vst v63  }
0x169: {  	s15 =	simm.s32 $0x17900  }
0x16a: {  	[tilespmem:s15], [sflag:$0x2] =	stream.indirect_vreg.gather [hbm4b:s5+s3], $0x80, v3, vm0, $0xb8;
	[tilespmem:$0x18100] =	vst v63  }
0x16b: {  	_ =	swait.ge [sflag:s11], $0xC000  }
0x16c: {  	[sflag:s11] =	ssyncset.done $0x0  }
0x16d: {  	s8 =	simm.s32 $0x100;
	s1 =	rddreg [dreg:$0xa];
	[sflag:s11] =	ssyncadd.s32 $0xFFFF4000  }
0x16e: {  	[hbm4b:s1+s3] =	stream.linear.scatter [tilespmem:s8], [sflag:$0x3], $0xC000, $0x38;
	[tilespmem:$0x18100] =	vst v63  }
0x16f: {  	_ =	swait.ge [sflag:s12], $0xC000  }
0x170: {  	[sflag:s12] =	ssyncset.done $0x0  }
0x171: {  	s15 =	rddreg [dreg:$0xb];
	[sflag:s12] =	ssyncadd.s32 $0xFFFF4000  }
0x172: {  	[hbm4b:s15+s3] =	stream.linear.scatter [tilespmem:s0], [sflag:$0x4], $0xC000, $0x38;
	[tilespmem:$0x18100] =	vst v63  }
0x173: {  	p0 =	sne.s32 s6, $0x1;
	_ =	swait.ge [sflag:s9], $0xC000  }
.Ltmp0:
0x174: {  	[sflag:s9] =	ssyncset.done $0x0;
	(pc) =	sbr.rel @p0 .LBB2_1-.Ltmp0, $4  }
0x175: {  	[sflag:s9] =	ssyncadd.s32 $0xFFFF4000  }
0x176: {  	_ =	swait.ge [sflag:s13], $0xC000  }
0x177: {  	[sflag:s13] =	ssyncset.done $0x0  }
0x178: {  	s6 =	sadd.s32 $0xFFFFFFFF, s6;
	[sflag:s13] =	ssyncadd.s32 $0xFFFF4000  }
0x179: {  	_ =	sfence.sel $0x180000  }
0x17a: {  	[bflag:$0x0] =	sbarrier.arrive $0xFFFF  }
0x17b: {  	_ =	strace $0x90000047  }
0x17c: {  	s0 =	stileid.u32;
	[bflag:$0x2] =	sbarrier.arrive $0xFFFF  }
0x17d: {  	p0 =	sne.s32 s0, $0x0;
	s0 =	rddreg [dreg:$0x3]  }
0x17e: {  	s0 =	sadd.s32 @!p0 $0x100000, s0  }
0x17f: {  	[sflag:s0] =	ssyncadd.tile.s32 @!p0 $0x1;
	_ =	shalt  }
.Lfunc_end2:
_tile_overlayer_lowered:
.L_overlay_start_2:
0x180: {  	(tag) =	ssettag $0x2  }
0x181: {  	s0 =	rddreg [dreg:$0x0];
	s2 =	stileid.u32  }
0x182: {  	s1 =	rddreg [dreg:$0x1];
	p0 =	sne.s32 s2, $0x0  }
0x183: {  	s3 =	rddreg [dreg:$0x2];
	[bflag:$0x3] =	sbarrier.arrive $0xFFFF;
	s2 =	simm.s32 @!p0 $0x1C05  }
0x184: {  	[timem:s3], [sflag:s2] =	dma.local @!p0 [hbm:s0], s1  }
0x185: {  	s0 =	simm.s32 @!p0 $0x5  }
0x186: {  	_ =	swait.ge @!p0 [sflag:s0], s1  }
0x187: {  	s1 =	ssub.s32 @!p0 $0x0, s1;
	[sflag:s0] =	ssyncset.done @!p0 $0x0  }
0x188: {  	[sflag:s0] =	ssyncadd.s32 @!p0 s1  }
0x189: {  	[bflag:$0x3] =	sbarrier.arrive $0xFFFF  }
0x18a: {  	_ =	shalt  }

</sc_bundles>
